<compile_context>
chip_gen: v7x
topology: tpu7x:2x2x1
jax: 0.10.2.dev20260603
libtpu: 0.0.44.dev20260713+nightly
codegen_flags: <defaults>
</compile_context>

<pallas_src>
import functools

import jax
import jax.numpy as jnp
from jax import lax
from jax.experimental import pallas as pl
from jax.experimental.pallas import tpu as pltpu
from jax.experimental.pallas import tpu_sc as plsc

VOCAB = 100000
EMBED = 64
BATCH = 4096
SEQ = 200
B_TOTAL = BATCH * SEQ

_info = plsc.get_sparse_core_info()
NC, NS = _info.num_cores, _info.num_subcores
NW = NC * NS
B_PER_W = B_TOTAL // NW
CHUNK = 128
N_CHUNKS = B_PER_W // CHUNK
NBUF = 8
INFLIGHT = 4
N_OUTER = N_CHUNKS // NBUF

_mesh = plsc.VectorSubcoreMesh(core_axis_name="c", subcore_axis_name="s")


@functools.partial(
    pl.kernel,
    mesh=_mesh,
    out_type=jax.ShapeDtypeStruct((B_TOTAL, EMBED), jnp.float32),
    scratch_types=[
        pltpu.VMEM((N_CHUNKS, CHUNK), jnp.int32),
        pltpu.VMEM((NBUF, CHUNK, EMBED), jnp.float32),
        pltpu.SemaphoreType.DMA,
        pltpu.SemaphoreType.DMA,
    ],
    compiler_params=pltpu.CompilerParams(use_tc_tiling_on_sc=False),
)
def _gather_kernel(table_hbm, idx_hbm, out_hbm, idx_v, rows_v, gsem, wsem):
    wid = lax.axis_index("s") * NC + lax.axis_index("c")
    base = wid * B_PER_W

    pltpu.sync_copy(idx_hbm.at[wid], idx_v)

    def gather_start(chunk, slot):
        pltpu.async_copy(table_hbm.at[idx_v.at[chunk]], rows_v.at[slot], gsem)

    def gather_wait():
        pltpu.make_async_copy(
            table_hbm.at[idx_v.at[0]], rows_v.at[0], gsem
        ).wait()

    def wb_start(chunk, slot):
        pltpu.async_copy(
            rows_v.at[slot],
            out_hbm.at[pl.ds(base + chunk * CHUNK, CHUNK)],
            wsem,
        )

    def wb_wait():
        pltpu.make_async_copy(
            rows_v.at[0], out_hbm.at[pl.ds(base, CHUNK)], wsem
        ).wait()

    for b in range(INFLIGHT):
        gather_start(b, b)

    def outer(o, carry):
        for b in range(NBUF):
            g = o * NBUF + b
            gather_wait()
            wb_start(g, b)
            if b < INFLIGHT:
                @pl.when(o > 0)
                def _():
                    wb_wait()

                gather_start(g + INFLIGHT, b + INFLIGHT)
            else:
                wb_wait()

                @pl.when(o < N_OUTER - 1)
                def _():
                    gather_start(g + INFLIGHT, (b + INFLIGHT) % NBUF)
        return carry

    lax.fori_loop(0, N_OUTER, outer, 0)

    for _ in range(INFLIGHT):
        wb_wait()


def kernel(x, table):
    idx = x.reshape(NW, N_CHUNKS, CHUNK)
    out = _gather_kernel(table, idx)
    return out.reshape(BATCH, SEQ, EMBED)

# --- scband reference (transcript-rebuilt; emitter-appended) ---
"""Pipeline reference for scband-text-embedding-24026047054580 (READ-ONLY COPY).

The authoritative reference and input builder live on the scoring server;
editing this copy changes nothing except your own understanding.
"""

import jax, jax.numpy as jnp
import numpy as np

VOCAB = 100000
EMBED_DIM = 64
BATCH = 4096
SEQ = 200


def setup_inputs(seed: int = 0) -> dict:
    key = jax.random.key(seed)
    k_idx, k_tab = jax.random.split(key)
    x = jax.random.randint(k_idx, (BATCH, SEQ), 0, VOCAB, dtype=jnp.int32)
    table = jax.random.normal(k_tab, (VOCAB, EMBED_DIM), dtype=jnp.float32)
    return {"x": x, "table": table}


def reference(x, table):
    # nn.Embedding lookup: gather rows of the pretrained table.
    # Dropout p=0.0 (and eval mode) is the identity, so no masking is applied.
    out = jnp.take(table, x, axis=0)
    return out

if __name__ == "__main__":
    import jax
    _d = setup_inputs()
    print(jax.jit(kernel)(*tuple(_d.values())))

</pallas_src>

<mosaic_0001>
#map = affine_map<(d0, d1) -> (0, 0)>
#map1 = affine_map<(d0, d1) -> (0, 0, 0)>
module attributes {stable_mosaic.version = 14 : i64} {
  func.func @_gather_kernel(%arg0: i32, %arg1: i32, %arg2: memref<100000x64xf32, #tpu.memory_space<hbm>>, %arg3: memref<32x200x128xi32, #tpu.memory_space<hbm>>, %arg4: memref<819200x64xf32, #tpu.memory_space<hbm>>, %arg5: memref<200x128xi32, #tpu.memory_space<vmem>>, %arg6: memref<8x128x64xf32, #tpu.memory_space<vmem>>, %arg7: memref<!tpu.dma_semaphore, #tpu.memory_space<semaphore_mem>>, %arg8: memref<!tpu.dma_semaphore, #tpu.memory_space<semaphore_mem>>) attributes {dimension_semantics = [#tpu.dimension_semantics<core_parallel>, #tpu.dimension_semantics<subcore_parallel>], iteration_bounds = array<i64: 2, 16>, scalar_prefetch = 0 : i64, scratch_operands = 4 : i64, tpu.core_type = #tpu.core_type<sc_vector_subcore>, window_params = [{transform_indices = #map}, {transform_indices = #map1}, {transform_indices = #map}]} {
    %mul3A = arith.constant 2 : i32
    %mul3A_0 = arith.muli %arg1, %mul3A : i32
    %add3A = arith.addi %mul3A_0, %arg0 : i32
    %mul3A_1 = arith.constant 25600 : i32
    %mul3A_2 = arith.muli %add3A, %mul3A_1 : i32
    "tpu.region"() ({
      %run_scoped3A = tpu.sem_alloc : memref<!tpu.dma_semaphore, #tpu.memory_space<semaphore_mem>>
      %dma_start3A_106 = arith.constant 0 : i32
      %dma_start3A_107 = arith.constant 0 : i32
      %dma_start3A_108 = tpu.memref_slice %arg3[%add3A, %dma_start3A_106, %dma_start3A_107] : memref<32x200x128xi32, #tpu.memory_space<hbm>> -> memref<1x200x128xi32, #tpu.memory_space<hbm>>
      %dma_start3A_109 = tpu.memref_squeeze %dma_start3A_108 : memref<1x200x128xi32, #tpu.memory_space<hbm>> -> memref<200x128xi32, #tpu.memory_space<hbm>>
      %dma_start3A_110 = arith.constant 0 : i32
      %dma_start3A_111 = arith.constant 0 : i32
      %dma_start3A_112 = tpu.memref_slice %arg3[%add3A, %dma_start3A_110, %dma_start3A_111] : memref<32x200x128xi32, #tpu.memory_space<hbm>> -> memref<1x200x128xi32, #tpu.memory_space<hbm>>
      %dma_start3A_113 = tpu.memref_squeeze %dma_start3A_112 : memref<1x200x128xi32, #tpu.memory_space<hbm>> -> memref<200x128xi32, #tpu.memory_space<hbm>>
      tpu.enqueue_dma source(%dma_start3A_113 : memref<200x128xi32, #tpu.memory_space<hbm>>) target(%arg5 : memref<200x128xi32, #tpu.memory_space<vmem>>) target_semaphore(%run_scoped3A : memref<!tpu.dma_semaphore, #tpu.memory_space<semaphore_mem>>)
      %dma_wait3A_114 = arith.constant 0 : i32
      %dma_wait3A_115 = arith.constant 0 : i32
      %dma_wait3A_116 = tpu.memref_slice %arg3[%add3A, %dma_wait3A_114, %dma_wait3A_115] : memref<32x200x128xi32, #tpu.memory_space<hbm>> -> memref<1x200x128xi32, #tpu.memory_space<hbm>>
      %dma_wait3A_117 = tpu.memref_squeeze %dma_wait3A_116 : memref<1x200x128xi32, #tpu.memory_space<hbm>> -> memref<200x128xi32, #tpu.memory_space<hbm>>
      %dma_wait3A_118 = arith.constant 0 : i32
      %dma_wait3A_119 = arith.constant 0 : i32
      %dma_wait3A_120 = tpu.memref_slice %arg3[%add3A, %dma_wait3A_118, %dma_wait3A_119] : memref<32x200x128xi32, #tpu.memory_space<hbm>> -> memref<1x200x128xi32, #tpu.memory_space<hbm>>
      %dma_wait3A_121 = tpu.memref_squeeze %dma_wait3A_120 : memref<1x200x128xi32, #tpu.memory_space<hbm>> -> memref<200x128xi32, #tpu.memory_space<hbm>>
      tpu.wait_dma2 semaphore(%run_scoped3A : memref<!tpu.dma_semaphore, #tpu.memory_space<semaphore_mem>>) src(%dma_wait3A_121 : memref<200x128xi32, #tpu.memory_space<hbm>>) dst(%arg5 : memref<200x128xi32, #tpu.memory_space<vmem>>)
      tpu.yield
    }) : () -> ()
    %dma_start3A = arith.constant 0 : i32
    %dma_start3A_3 = arith.constant 0 : i32
    %dma_start3A_4 = arith.constant 0 : i32
    %dma_start3A_5 = arith.constant 0 : i32
    %dma_start3A_6 = tpu.memref_slice %arg6[%dma_start3A_3, %dma_start3A_4, %dma_start3A_5] : memref<8x128x64xf32, #tpu.memory_space<vmem>> -> memref<1x128x64xf32, #tpu.memory_space<vmem>>
    %dma_start3A_7 = tpu.memref_squeeze %dma_start3A_6 : memref<1x128x64xf32, #tpu.memory_space<vmem>> -> memref<128x64xf32, #tpu.memory_space<vmem>>
    %dma_start3A_8 = arith.constant 0 : i32
    %dma_start3A_9 = tpu.memref_slice %arg5[%dma_start3A, %dma_start3A_8] : memref<200x128xi32, #tpu.memory_space<vmem>> -> memref<1x128xi32, #tpu.memory_space<vmem>>
    %dma_start3A_10 = tpu.memref_squeeze %dma_start3A_9 : memref<1x128xi32, #tpu.memory_space<vmem>> -> memref<128xi32, #tpu.memory_space<vmem>>
    %dma_start3A_11 = arith.constant 0 : i32
    %dma_start3A_12 = arith.constant 0 : i32
    %dma_start3A_13 = tpu.memref_slice %arg2[%dma_start3A_11, %dma_start3A_12] : memref<100000x64xf32, #tpu.memory_space<hbm>> -> memref<100000x64xf32, #tpu.memory_space<hbm>>
    tpu.enqueue_indirect_dma source(%dma_start3A_13 : memref<100000x64xf32, #tpu.memory_space<hbm>>) target(%dma_start3A_7 : memref<128x64xf32, #tpu.memory_space<vmem>>) offsets(%dma_start3A_10 : memref<128xi32, #tpu.memory_space<vmem>>) semaphore(%arg7 : memref<!tpu.dma_semaphore, #tpu.memory_space<semaphore_mem>>)
    %dma_start3A_14 = arith.constant 1 : i32
    %dma_start3A_15 = arith.constant 1 : i32
    %dma_start3A_16 = arith.constant 0 : i32
    %dma_start3A_17 = arith.constant 0 : i32
    %dma_start3A_18 = tpu.memref_slice %arg6[%dma_start3A_15, %dma_start3A_16, %dma_start3A_17] : memref<8x128x64xf32, #tpu.memory_space<vmem>> -> memref<1x128x64xf32, #tpu.memory_space<vmem>>
    %dma_start3A_19 = tpu.memref_squeeze %dma_start3A_18 : memref<1x128x64xf32, #tpu.memory_space<vmem>> -> memref<128x64xf32, #tpu.memory_space<vmem>>
    %dma_start3A_20 = arith.constant 0 : i32
    %dma_start3A_21 = tpu.memref_slice %arg5[%dma_start3A_14, %dma_start3A_20] : memref<200x128xi32, #tpu.memory_space<vmem>> -> memref<1x128xi32, #tpu.memory_space<vmem>>
    %dma_start3A_22 = tpu.memref_squeeze %dma_start3A_21 : memref<1x128xi32, #tpu.memory_space<vmem>> -> memref<128xi32, #tpu.memory_space<vmem>>
    %dma_start3A_23 = arith.constant 0 : i32
    %dma_start3A_24 = arith.constant 0 : i32
    %dma_start3A_25 = tpu.memref_slice %arg2[%dma_start3A_23, %dma_start3A_24] : memref<100000x64xf32, #tpu.memory_space<hbm>> -> memref<100000x64xf32, #tpu.memory_space<hbm>>
    tpu.enqueue_indirect_dma source(%dma_start3A_25 : memref<100000x64xf32, #tpu.memory_space<hbm>>) target(%dma_start3A_19 : memref<128x64xf32, #tpu.memory_space<vmem>>) offsets(%dma_start3A_22 : memref<128xi32, #tpu.memory_space<vmem>>) semaphore(%arg7 : memref<!tpu.dma_semaphore, #tpu.memory_space<semaphore_mem>>)
    %dma_start3A_26 = arith.constant 2 : i32
    %dma_start3A_27 = arith.constant 2 : i32
    %dma_start3A_28 = arith.constant 0 : i32
    %dma_start3A_29 = arith.constant 0 : i32
    %dma_start3A_30 = tpu.memref_slice %arg6[%dma_start3A_27, %dma_start3A_28, %dma_start3A_29] : memref<8x128x64xf32, #tpu.memory_space<vmem>> -> memref<1x128x64xf32, #tpu.memory_space<vmem>>
    %dma_start3A_31 = tpu.memref_squeeze %dma_start3A_30 : memref<1x128x64xf32, #tpu.memory_space<vmem>> -> memref<128x64xf32, #tpu.memory_space<vmem>>
    %dma_start3A_32 = arith.constant 0 : i32
    %dma_start3A_33 = tpu.memref_slice %arg5[%dma_start3A_26, %dma_start3A_32] : memref<200x128xi32, #tpu.memory_space<vmem>> -> memref<1x128xi32, #tpu.memory_space<vmem>>
    %dma_start3A_34 = tpu.memref_squeeze %dma_start3A_33 : memref<1x128xi32, #tpu.memory_space<vmem>> -> memref<128xi32, #tpu.memory_space<vmem>>
    %dma_start3A_35 = arith.constant 0 : i32
    %dma_start3A_36 = arith.constant 0 : i32
    %dma_start3A_37 = tpu.memref_slice %arg2[%dma_start3A_35, %dma_start3A_36] : memref<100000x64xf32, #tpu.memory_space<hbm>> -> memref<100000x64xf32, #tpu.memory_space<hbm>>
    tpu.enqueue_indirect_dma source(%dma_start3A_37 : memref<100000x64xf32, #tpu.memory_space<hbm>>) target(%dma_start3A_31 : memref<128x64xf32, #tpu.memory_space<vmem>>) offsets(%dma_start3A_34 : memref<128xi32, #tpu.memory_space<vmem>>) semaphore(%arg7 : memref<!tpu.dma_semaphore, #tpu.memory_space<semaphore_mem>>)
    %dma_start3A_38 = arith.constant 3 : i32
    %dma_start3A_39 = arith.constant 3 : i32
    %dma_start3A_40 = arith.constant 0 : i32
    %dma_start3A_41 = arith.constant 0 : i32
    %dma_start3A_42 = tpu.memref_slice %arg6[%dma_start3A_39, %dma_start3A_40, %dma_start3A_41] : memref<8x128x64xf32, #tpu.memory_space<vmem>> -> memref<1x128x64xf32, #tpu.memory_space<vmem>>
    %dma_start3A_43 = tpu.memref_squeeze %dma_start3A_42 : memref<1x128x64xf32, #tpu.memory_space<vmem>> -> memref<128x64xf32, #tpu.memory_space<vmem>>
    %dma_start3A_44 = arith.constant 0 : i32
    %dma_start3A_45 = tpu.memref_slice %arg5[%dma_start3A_38, %dma_start3A_44] : memref<200x128xi32, #tpu.memory_space<vmem>> -> memref<1x128xi32, #tpu.memory_space<vmem>>
    %dma_start3A_46 = tpu.memref_squeeze %dma_start3A_45 : memref<1x128xi32, #tpu.memory_space<vmem>> -> memref<128xi32, #tpu.memory_space<vmem>>
    %dma_start3A_47 = arith.constant 0 : i32
    %dma_start3A_48 = arith.constant 0 : i32
    %dma_start3A_49 = tpu.memref_slice %arg2[%dma_start3A_47, %dma_start3A_48] : memref<100000x64xf32, #tpu.memory_space<hbm>> -> memref<100000x64xf32, #tpu.memory_space<hbm>>
    tpu.enqueue_indirect_dma source(%dma_start3A_49 : memref<100000x64xf32, #tpu.memory_space<hbm>>) target(%dma_start3A_43 : memref<128x64xf32, #tpu.memory_space<vmem>>) offsets(%dma_start3A_46 : memref<128xi32, #tpu.memory_space<vmem>>) semaphore(%arg7 : memref<!tpu.dma_semaphore, #tpu.memory_space<semaphore_mem>>)
    %scan3A = arith.constant 0 : i32
    %scan3A_50 = arith.constant 0 : i32
    %scan3A_51 = arith.constant 25 : i32
    %scan3A_52 = arith.addi %scan3A_50, %scan3A_51 : i32
    %scan3A_53 = arith.constant 1 : i32
    scf.for %scan3A_106 = %scan3A_50 to %scan3A_52 step %scan3A_53  : i32 {
      %mul3A_107 = arith.constant 8 : i32
      %mul3A_108 = arith.muli %scan3A_106, %mul3A_107 : i32
      %add3A_109 = arith.constant 0 : i32
      %add3A_110 = arith.addi %mul3A_108, %add3A_109 : i32
      %dma_wait3A_111 = arith.constant 0 : i32
      %dma_wait3A_112 = arith.constant 0 : i32
      %dma_wait3A_113 = arith.constant 0 : i32
      %dma_wait3A_114 = arith.constant 0 : i32
      %dma_wait3A_115 = tpu.memref_slice %arg6[%dma_wait3A_112, %dma_wait3A_113, %dma_wait3A_114] : memref<8x128x64xf32, #tpu.memory_space<vmem>> -> memref<1x128x64xf32, #tpu.memory_space<vmem>>
      %dma_wait3A_116 = tpu.memref_squeeze %dma_wait3A_115 : memref<1x128x64xf32, #tpu.memory_space<vmem>> -> memref<128x64xf32, #tpu.memory_space<vmem>>
      %dma_wait3A_117 = arith.constant 0 : i32
      %dma_wait3A_118 = tpu.memref_slice %arg5[%dma_wait3A_111, %dma_wait3A_117] : memref<200x128xi32, #tpu.memory_space<vmem>> -> memref<1x128xi32, #tpu.memory_space<vmem>>
      %dma_wait3A_119 = tpu.memref_squeeze %dma_wait3A_118 : memref<1x128xi32, #tpu.memory_space<vmem>> -> memref<128xi32, #tpu.memory_space<vmem>>
      %dma_wait3A_120 = arith.constant 0 : i32
      %dma_wait3A_121 = arith.constant 0 : i32
      %dma_wait3A_122 = tpu.memref_slice %arg2[%dma_wait3A_120, %dma_wait3A_121] : memref<100000x64xf32, #tpu.memory_space<hbm>> -> memref<100000x64xf32, #tpu.memory_space<hbm>>
      tpu.wait_indirect_dma semaphore(%arg7 : memref<!tpu.dma_semaphore, #tpu.memory_space<semaphore_mem>>) src(%dma_wait3A_122 : memref<100000x64xf32, #tpu.memory_space<hbm>>) dst(%dma_wait3A_116 : memref<128x64xf32, #tpu.memory_space<vmem>>)
      %mul3A_123 = arith.constant 128 : i32
      %mul3A_124 = arith.muli %add3A_110, %mul3A_123 : i32
      %add3A_125 = arith.addi %mul3A_2, %mul3A_124 : i32
      %dma_start3A_126 = arith.constant 0 : i32
      %dma_start3A_127 = arith.constant 0 : i32
      %dma_start3A_128 = arith.constant 0 : i32
      %dma_start3A_129 = tpu.memref_slice %arg6[%dma_start3A_126, %dma_start3A_127, %dma_start3A_128] : memref<8x128x64xf32, #tpu.memory_space<vmem>> -> memref<1x128x64xf32, #tpu.memory_space<vmem>>
      %dma_start3A_130 = tpu.memref_squeeze %dma_start3A_129 : memref<1x128x64xf32, #tpu.memory_space<vmem>> -> memref<128x64xf32, #tpu.memory_space<vmem>>
      %dma_start3A_131 = arith.constant 0 : i32
      %dma_start3A_132 = tpu.memref_slice %arg4[%add3A_125, %dma_start3A_131] : memref<819200x64xf32, #tpu.memory_space<hbm>> -> memref<128x64xf32, #tpu.memory_space<hbm>>
      %dma_start3A_133 = arith.constant 0 : i32
      %dma_start3A_134 = tpu.memref_slice %arg4[%add3A_125, %dma_start3A_133] : memref<819200x64xf32, #tpu.memory_space<hbm>> -> memref<128x64xf32, #tpu.memory_space<hbm>>
      %dma_start3A_135 = arith.constant 0 : i32
      %dma_start3A_136 = arith.constant 0 : i32
      %dma_start3A_137 = tpu.memref_slice %arg6[%dma_start3A_126, %dma_start3A_135, %dma_start3A_136] : memref<8x128x64xf32, #tpu.memory_space<vmem>> -> memref<1x128x64xf32, #tpu.memory_space<vmem>>
      %dma_start3A_138 = tpu.memref_squeeze %dma_start3A_137 : memref<1x128x64xf32, #tpu.memory_space<vmem>> -> memref<128x64xf32, #tpu.memory_space<vmem>>
      tpu.enqueue_dma source(%dma_start3A_138 : memref<128x64xf32, #tpu.memory_space<vmem>>) target(%dma_start3A_134 : memref<128x64xf32, #tpu.memory_space<hbm>>) target_semaphore(%arg8 : memref<!tpu.dma_semaphore, #tpu.memory_space<semaphore_mem>>)
      %gt3A = arith.constant 0 : i32
      %gt3A_139 = arith.cmpi sgt, %scan3A_106, %gt3A : i32
      %convert_element_type3A = arith.extui %gt3A_139 : i1 to i32
      %cond3A = arith.constant 0 : i32
      %cond3A_140 = arith.cmpi ne, %convert_element_type3A, %cond3A : i32
      scf.if %cond3A_140 {
        %dma_wait3A_503 = arith.constant 0 : i32
        %dma_wait3A_504 = arith.constant 0 : i32
        %dma_wait3A_505 = arith.constant 0 : i32
        %dma_wait3A_506 = tpu.memref_slice %arg6[%dma_wait3A_503, %dma_wait3A_504, %dma_wait3A_505] : memref<8x128x64xf32, #tpu.memory_space<vmem>> -> memref<1x128x64xf32, #tpu.memory_space<vmem>>
        %dma_wait3A_507 = tpu.memref_squeeze %dma_wait3A_506 : memref<1x128x64xf32, #tpu.memory_space<vmem>> -> memref<128x64xf32, #tpu.memory_space<vmem>>
        %dma_wait3A_508 = arith.constant 0 : i32
        %dma_wait3A_509 = tpu.memref_slice %arg4[%mul3A_2, %dma_wait3A_508] : memref<819200x64xf32, #tpu.memory_space<hbm>> -> memref<128x64xf32, #tpu.memory_space<hbm>>
        %dma_wait3A_510 = arith.constant 0 : i32
        %dma_wait3A_511 = tpu.memref_slice %arg4[%mul3A_2, %dma_wait3A_510] : memref<819200x64xf32, #tpu.memory_space<hbm>> -> memref<128x64xf32, #tpu.memory_space<hbm>>
        %dma_wait3A_512 = arith.constant 0 : i32
        %dma_wait3A_513 = arith.constant 0 : i32
        %dma_wait3A_514 = tpu.memref_slice %arg6[%dma_wait3A_503, %dma_wait3A_512, %dma_wait3A_513] : memref<8x128x64xf32, #tpu.memory_space<vmem>> -> memref<1x128x64xf32, #tpu.memory_space<vmem>>
        %dma_wait3A_515 = tpu.memref_squeeze %dma_wait3A_514 : memref<1x128x64xf32, #tpu.memory_space<vmem>> -> memref<128x64xf32, #tpu.memory_space<vmem>>
        tpu.wait_dma2 semaphore(%arg8 : memref<!tpu.dma_semaphore, #tpu.memory_space<semaphore_mem>>) src(%dma_wait3A_515 : memref<128x64xf32, #tpu.memory_space<vmem>>) dst(%dma_wait3A_511 : memref<128x64xf32, #tpu.memory_space<hbm>>)
      } else {
      }
      %add3A_141 = arith.constant 4 : i32
      %add3A_142 = arith.addi %add3A_110, %add3A_141 : i32
      %dma_start3A_143 = arith.constant 4 : i32
      %dma_start3A_144 = arith.constant 0 : i32
      %dma_start3A_145 = arith.constant 0 : i32
      %dma_start3A_146 = tpu.memref_slice %arg6[%dma_start3A_143, %dma_start3A_144, %dma_start3A_145] : memref<8x128x64xf32, #tpu.memory_space<vmem>> -> memref<1x128x64xf32, #tpu.memory_space<vmem>>
      %dma_start3A_147 = tpu.memref_squeeze %dma_start3A_146 : memref<1x128x64xf32, #tpu.memory_space<vmem>> -> memref<128x64xf32, #tpu.memory_space<vmem>>
      %dma_start3A_148 = arith.constant 0 : i32
      %dma_start3A_149 = tpu.memref_slice %arg5[%add3A_142, %dma_start3A_148] : memref<200x128xi32, #tpu.memory_space<vmem>> -> memref<1x128xi32, #tpu.memory_space<vmem>>
      %dma_start3A_150 = tpu.memref_squeeze %dma_start3A_149 : memref<1x128xi32, #tpu.memory_space<vmem>> -> memref<128xi32, #tpu.memory_space<vmem>>
      %dma_start3A_151 = arith.constant 0 : i32
      %dma_start3A_152 = arith.constant 0 : i32
      %dma_start3A_153 = tpu.memref_slice %arg2[%dma_start3A_151, %dma_start3A_152] : memref<100000x64xf32, #tpu.memory_space<hbm>> -> memref<100000x64xf32, #tpu.memory_space<hbm>>
      tpu.enqueue_indirect_dma source(%dma_start3A_153 : memref<100000x64xf32, #tpu.memory_space<hbm>>) target(%dma_start3A_147 : memref<128x64xf32, #tpu.memory_space<vmem>>) offsets(%dma_start3A_150 : memref<128xi32, #tpu.memory_space<vmem>>) semaphore(%arg7 : memref<!tpu.dma_semaphore, #tpu.memory_space<semaphore_mem>>)
      %mul3A_154 = arith.constant 8 : i32
      %mul3A_155 = arith.muli %scan3A_106, %mul3A_154 : i32
      %add3A_156 = arith.constant 1 : i32
      %add3A_157 = arith.addi %mul3A_155, %add3A_156 : i32
      %dma_wait3A_158 = arith.constant 0 : i32
      %dma_wait3A_159 = arith.constant 0 : i32
      %dma_wait3A_160 = arith.constant 0 : i32
      %dma_wait3A_161 = arith.constant 0 : i32
      %dma_wait3A_162 = tpu.memref_slice %arg6[%dma_wait3A_159, %dma_wait3A_160, %dma_wait3A_161] : memref<8x128x64xf32, #tpu.memory_space<vmem>> -> memref<1x128x64xf32, #tpu.memory_space<vmem>>
      %dma_wait3A_163 = tpu.memref_squeeze %dma_wait3A_162 : memref<1x128x64xf32, #tpu.memory_space<vmem>> -> memref<128x64xf32, #tpu.memory_space<vmem>>
      %dma_wait3A_164 = arith.constant 0 : i32
      %dma_wait3A_165 = tpu.memref_slice %arg5[%dma_wait3A_158, %dma_wait3A_164] : memref<200x128xi32, #tpu.memory_space<vmem>> -> memref<1x128xi32, #tpu.memory_space<vmem>>
      %dma_wait3A_166 = tpu.memref_squeeze %dma_wait3A_165 : memref<1x128xi32, #tpu.memory_space<vmem>> -> memref<128xi32, #tpu.memory_space<vmem>>
      %dma_wait3A_167 = arith.constant 0 : i32
      %dma_wait3A_168 = arith.constant 0 : i32
      %dma_wait3A_169 = tpu.memref_slice %arg2[%dma_wait3A_167, %dma_wait3A_168] : memref<100000x64xf32, #tpu.memory_space<hbm>> -> memref<100000x64xf32, #tpu.memory_space<hbm>>
      tpu.wait_indirect_dma semaphore(%arg7 : memref<!tpu.dma_semaphore, #tpu.memory_space<semaphore_mem>>) src(%dma_wait3A_169 : memref<100000x64xf32, #tpu.memory_space<hbm>>) dst(%dma_wait3A_163 : memref<128x64xf32, #tpu.memory_space<vmem>>)
      %mul3A_170 = arith.constant 128 : i32
      %mul3A_171 = arith.muli %add3A_157, %mul3A_170 : i32
      %add3A_172 = arith.addi %mul3A_2, %mul3A_171 : i32
      %dma_start3A_173 = arith.constant 1 : i32
      %dma_start3A_174 = arith.constant 0 : i32
      %dma_start3A_175 = arith.constant 0 : i32
      %dma_start3A_176 = tpu.memref_slice %arg6[%dma_start3A_173, %dma_start3A_174, %dma_start3A_175] : memref<8x128x64xf32, #tpu.memory_space<vmem>> -> memref<1x128x64xf32, #tpu.memory_space<vmem>>
      %dma_start3A_177 = tpu.memref_squeeze %dma_start3A_176 : memref<1x128x64xf32, #tpu.memory_space<vmem>> -> memref<128x64xf32, #tpu.memory_space<vmem>>
      %dma_start3A_178 = arith.constant 0 : i32
      %dma_start3A_179 = tpu.memref_slice %arg4[%add3A_172, %dma_start3A_178] : memref<819200x64xf32, #tpu.memory_space<hbm>> -> memref<128x64xf32, #tpu.memory_space<hbm>>
      %dma_start3A_180 = arith.constant 0 : i32
      %dma_start3A_181 = tpu.memref_slice %arg4[%add3A_172, %dma_start3A_180] : memref<819200x64xf32, #tpu.memory_space<hbm>> -> memref<128x64xf32, #tpu.memory_space<hbm>>
      %dma_start3A_182 = arith.constant 0 : i32
      %dma_start3A_183 = arith.constant 0 : i32
      %dma_start3A_184 = tpu.memref_slice %arg6[%dma_start3A_173, %dma_start3A_182, %dma_start3A_183] : memref<8x128x64xf32, #tpu.memory_space<vmem>> -> memref<1x128x64xf32, #tpu.memory_space<vmem>>
      %dma_start3A_185 = tpu.memref_squeeze %dma_start3A_184 : memref<1x128x64xf32, #tpu.memory_space<vmem>> -> memref<128x64xf32, #tpu.memory_space<vmem>>
      tpu.enqueue_dma source(%dma_start3A_185 : memref<128x64xf32, #tpu.memory_space<vmem>>) target(%dma_start3A_181 : memref<128x64xf32, #tpu.memory_space<hbm>>) target_semaphore(%arg8 : memref<!tpu.dma_semaphore, #tpu.memory_space<semaphore_mem>>)
      %gt3A_186 = arith.constant 0 : i32
      %gt3A_187 = arith.cmpi sgt, %scan3A_106, %gt3A_186 : i32
      %convert_element_type3A_188 = arith.extui %gt3A_187 : i1 to i32
      %cond3A_189 = arith.constant 0 : i32
      %cond3A_190 = arith.cmpi ne, %convert_element_type3A_188, %cond3A_189 : i32
      scf.if %cond3A_190 {
        %dma_wait3A_503 = arith.constant 0 : i32
        %dma_wait3A_504 = arith.constant 0 : i32
        %dma_wait3A_505 = arith.constant 0 : i32
        %dma_wait3A_506 = tpu.memref_slice %arg6[%dma_wait3A_503, %dma_wait3A_504, %dma_wait3A_505] : memref<8x128x64xf32, #tpu.memory_space<vmem>> -> memref<1x128x64xf32, #tpu.memory_space<vmem>>
        %dma_wait3A_507 = tpu.memref_squeeze %dma_wait3A_506 : memref<1x128x64xf32, #tpu.memory_space<vmem>> -> memref<128x64xf32, #tpu.memory_space<vmem>>
        %dma_wait3A_508 = arith.constant 0 : i32
        %dma_wait3A_509 = tpu.memref_slice %arg4[%mul3A_2, %dma_wait3A_508] : memref<819200x64xf32, #tpu.memory_space<hbm>> -> memref<128x64xf32, #tpu.memory_space<hbm>>
        %dma_wait3A_510 = arith.constant 0 : i32
        %dma_wait3A_511 = tpu.memref_slice %arg4[%mul3A_2, %dma_wait3A_510] : memref<819200x64xf32, #tpu.memory_space<hbm>> -> memref<128x64xf32, #tpu.memory_space<hbm>>
        %dma_wait3A_512 = arith.constant 0 : i32
        %dma_wait3A_513 = arith.constant 0 : i32
        %dma_wait3A_514 = tpu.memref_slice %arg6[%dma_wait3A_503, %dma_wait3A_512, %dma_wait3A_513] : memref<8x128x64xf32, #tpu.memory_space<vmem>> -> memref<1x128x64xf32, #tpu.memory_space<vmem>>
        %dma_wait3A_515 = tpu.memref_squeeze %dma_wait3A_514 : memref<1x128x64xf32, #tpu.memory_space<vmem>> -> memref<128x64xf32, #tpu.memory_space<vmem>>
        tpu.wait_dma2 semaphore(%arg8 : memref<!tpu.dma_semaphore, #tpu.memory_space<semaphore_mem>>) src(%dma_wait3A_515 : memref<128x64xf32, #tpu.memory_space<vmem>>) dst(%dma_wait3A_511 : memref<128x64xf32, #tpu.memory_space<hbm>>)
      } else {
      }
      %add3A_191 = arith.constant 4 : i32
      %add3A_192 = arith.addi %add3A_157, %add3A_191 : i32
      %dma_start3A_193 = arith.constant 5 : i32
      %dma_start3A_194 = arith.constant 0 : i32
      %dma_start3A_195 = arith.constant 0 : i32
      %dma_start3A_196 = tpu.memref_slice %arg6[%dma_start3A_193, %dma_start3A_194, %dma_start3A_195] : memref<8x128x64xf32, #tpu.memory_space<vmem>> -> memref<1x128x64xf32, #tpu.memory_space<vmem>>
      %dma_start3A_197 = tpu.memref_squeeze %dma_start3A_196 : memref<1x128x64xf32, #tpu.memory_space<vmem>> -> memref<128x64xf32, #tpu.memory_space<vmem>>
      %dma_start3A_198 = arith.constant 0 : i32
      %dma_start3A_199 = tpu.memref_slice %arg5[%add3A_192, %dma_start3A_198] : memref<200x128xi32, #tpu.memory_space<vmem>> -> memref<1x128xi32, #tpu.memory_space<vmem>>
      %dma_start3A_200 = tpu.memref_squeeze %dma_start3A_199 : memref<1x128xi32, #tpu.memory_space<vmem>> -> memref<128xi32, #tpu.memory_space<vmem>>
      %dma_start3A_201 = arith.constant 0 : i32
      %dma_start3A_202 = arith.constant 0 : i32
      %dma_start3A_203 = tpu.memref_slice %arg2[%dma_start3A_201, %dma_start3A_202] : memref<100000x64xf32, #tpu.memory_space<hbm>> -> memref<100000x64xf32, #tpu.memory_space<hbm>>
      tpu.enqueue_indirect_dma source(%dma_start3A_203 : memref<100000x64xf32, #tpu.memory_space<hbm>>) target(%dma_start3A_197 : memref<128x64xf32, #tpu.memory_space<vmem>>) offsets(%dma_start3A_200 : memref<128xi32, #tpu.memory_space<vmem>>) semaphore(%arg7 : memref<!tpu.dma_semaphore, #tpu.memory_space<semaphore_mem>>)
      %mul3A_204 = arith.constant 8 : i32
      %mul3A_205 = arith.muli %scan3A_106, %mul3A_204 : i32
      %add3A_206 = arith.constant 2 : i32
      %add3A_207 = arith.addi %mul3A_205, %add3A_206 : i32
      %dma_wait3A_208 = arith.constant 0 : i32
      %dma_wait3A_209 = arith.constant 0 : i32
      %dma_wait3A_210 = arith.constant 0 : i32
      %dma_wait3A_211 = arith.constant 0 : i32
      %dma_wait3A_212 = tpu.memref_slice %arg6[%dma_wait3A_209, %dma_wait3A_210, %dma_wait3A_211] : memref<8x128x64xf32, #tpu.memory_space<vmem>> -> memref<1x128x64xf32, #tpu.memory_space<vmem>>
      %dma_wait3A_213 = tpu.memref_squeeze %dma_wait3A_212 : memref<1x128x64xf32, #tpu.memory_space<vmem>> -> memref<128x64xf32, #tpu.memory_space<vmem>>
      %dma_wait3A_214 = arith.constant 0 : i32
      %dma_wait3A_215 = tpu.memref_slice %arg5[%dma_wait3A_208, %dma_wait3A_214] : memref<200x128xi32, #tpu.memory_space<vmem>> -> memref<1x128xi32, #tpu.memory_space<vmem>>
      %dma_wait3A_216 = tpu.memref_squeeze %dma_wait3A_215 : memref<1x128xi32, #tpu.memory_space<vmem>> -> memref<128xi32, #tpu.memory_space<vmem>>
      %dma_wait3A_217 = arith.constant 0 : i32
      %dma_wait3A_218 = arith.constant 0 : i32
      %dma_wait3A_219 = tpu.memref_slice %arg2[%dma_wait3A_217, %dma_wait3A_218] : memref<100000x64xf32, #tpu.memory_space<hbm>> -> memref<100000x64xf32, #tpu.memory_space<hbm>>
      tpu.wait_indirect_dma semaphore(%arg7 : memref<!tpu.dma_semaphore, #tpu.memory_space<semaphore_mem>>) src(%dma_wait3A_219 : memref<100000x64xf32, #tpu.memory_space<hbm>>) dst(%dma_wait3A_213 : memref<128x64xf32, #tpu.memory_space<vmem>>)
      %mul3A_220 = arith.constant 128 : i32
      %mul3A_221 = arith.muli %add3A_207, %mul3A_220 : i32
      %add3A_222 = arith.addi %mul3A_2, %mul3A_221 : i32
      %dma_start3A_223 = arith.constant 2 : i32
      %dma_start3A_224 = arith.constant 0 : i32
      %dma_start3A_225 = arith.constant 0 : i32
      %dma_start3A_226 = tpu.memref_slice %arg6[%dma_start3A_223, %dma_start3A_224, %dma_start3A_225] : memref<8x128x64xf32, #tpu.memory_space<vmem>> -> memref<1x128x64xf32, #tpu.memory_space<vmem>>
      %dma_start3A_227 = tpu.memref_squeeze %dma_start3A_226 : memref<1x128x64xf32, #tpu.memory_space<vmem>> -> memref<128x64xf32, #tpu.memory_space<vmem>>
      %dma_start3A_228 = arith.constant 0 : i32
      %dma_start3A_229 = tpu.memref_slice %arg4[%add3A_222, %dma_start3A_228] : memref<819200x64xf32, #tpu.memory_space<hbm>> -> memref<128x64xf32, #tpu.memory_space<hbm>>
      %dma_start3A_230 = arith.constant 0 : i32
      %dma_start3A_231 = tpu.memref_slice %arg4[%add3A_222, %dma_start3A_230] : memref<819200x64xf32, #tpu.memory_space<hbm>> -> memref<128x64xf32, #tpu.memory_space<hbm>>
      %dma_start3A_232 = arith.constant 0 : i32
      %dma_start3A_233 = arith.constant 0 : i32
      %dma_start3A_234 = tpu.memref_slice %arg6[%dma_start3A_223, %dma_start3A_232, %dma_start3A_233] : memref<8x128x64xf32, #tpu.memory_space<vmem>> -> memref<1x128x64xf32, #tpu.memory_space<vmem>>
      %dma_start3A_235 = tpu.memref_squeeze %dma_start3A_234 : memref<1x128x64xf32, #tpu.memory_space<vmem>> -> memref<128x64xf32, #tpu.memory_space<vmem>>
      tpu.enqueue_dma source(%dma_start3A_235 : memref<128x64xf32, #tpu.memory_space<vmem>>) target(%dma_start3A_231 : memref<128x64xf32, #tpu.memory_space<hbm>>) target_semaphore(%arg8 : memref<!tpu.dma_semaphore, #tpu.memory_space<semaphore_mem>>)
      %gt3A_236 = arith.constant 0 : i32
      %gt3A_237 = arith.cmpi sgt, %scan3A_106, %gt3A_236 : i32
      %convert_element_type3A_238 = arith.extui %gt3A_237 : i1 to i32
      %cond3A_239 = arith.constant 0 : i32
      %cond3A_240 = arith.cmpi ne, %convert_element_type3A_238, %cond3A_239 : i32
      scf.if %cond3A_240 {
        %dma_wait3A_503 = arith.constant 0 : i32
        %dma_wait3A_504 = arith.constant 0 : i32
        %dma_wait3A_505 = arith.constant 0 : i32
        %dma_wait3A_506 = tpu.memref_slice %arg6[%dma_wait3A_503, %dma_wait3A_504, %dma_wait3A_505] : memref<8x128x64xf32, #tpu.memory_space<vmem>> -> memref<1x128x64xf32, #tpu.memory_space<vmem>>
        %dma_wait3A_507 = tpu.memref_squeeze %dma_wait3A_506 : memref<1x128x64xf32, #tpu.memory_space<vmem>> -> memref<128x64xf32, #tpu.memory_space<vmem>>
        %dma_wait3A_508 = arith.constant 0 : i32
        %dma_wait3A_509 = tpu.memref_slice %arg4[%mul3A_2, %dma_wait3A_508] : memref<819200x64xf32, #tpu.memory_space<hbm>> -> memref<128x64xf32, #tpu.memory_space<hbm>>
        %dma_wait3A_510 = arith.constant 0 : i32
        %dma_wait3A_511 = tpu.memref_slice %arg4[%mul3A_2, %dma_wait3A_510] : memref<819200x64xf32, #tpu.memory_space<hbm>> -> memref<128x64xf32, #tpu.memory_space<hbm>>
        %dma_wait3A_512 = arith.constant 0 : i32
        %dma_wait3A_513 = arith.constant 0 : i32
        %dma_wait3A_514 = tpu.memref_slice %arg6[%dma_wait3A_503, %dma_wait3A_512, %dma_wait3A_513] : memref<8x128x64xf32, #tpu.memory_space<vmem>> -> memref<1x128x64xf32, #tpu.memory_space<vmem>>
        %dma_wait3A_515 = tpu.memref_squeeze %dma_wait3A_514 : memref<1x128x64xf32, #tpu.memory_space<vmem>> -> memref<128x64xf32, #tpu.memory_space<vmem>>
        tpu.wait_dma2 semaphore(%arg8 : memref<!tpu.dma_semaphore, #tpu.memory_space<semaphore_mem>>) src(%dma_wait3A_515 : memref<128x64xf32, #tpu.memory_space<vmem>>) dst(%dma_wait3A_511 : memref<128x64xf32, #tpu.memory_space<hbm>>)
      } else {
      }
      %add3A_241 = arith.constant 4 : i32
      %add3A_242 = arith.addi %add3A_207, %add3A_241 : i32
      %dma_start3A_243 = arith.constant 6 : i32
      %dma_start3A_244 = arith.constant 0 : i32
      %dma_start3A_245 = arith.constant 0 : i32
      %dma_start3A_246 = tpu.memref_slice %arg6[%dma_start3A_243, %dma_start3A_244, %dma_start3A_245] : memref<8x128x64xf32, #tpu.memory_space<vmem>> -> memref<1x128x64xf32, #tpu.memory_space<vmem>>
      %dma_start3A_247 = tpu.memref_squeeze %dma_start3A_246 : memref<1x128x64xf32, #tpu.memory_space<vmem>> -> memref<128x64xf32, #tpu.memory_space<vmem>>
      %dma_start3A_248 = arith.constant 0 : i32
      %dma_start3A_249 = tpu.memref_slice %arg5[%add3A_242, %dma_start3A_248] : memref<200x128xi32, #tpu.memory_space<vmem>> -> memref<1x128xi32, #tpu.memory_space<vmem>>
      %dma_start3A_250 = tpu.memref_squeeze %dma_start3A_249 : memref<1x128xi32, #tpu.memory_space<vmem>> -> memref<128xi32, #tpu.memory_space<vmem>>
      %dma_start3A_251 = arith.constant 0 : i32
      %dma_start3A_252 = arith.constant 0 : i32
      %dma_start3A_253 = tpu.memref_slice %arg2[%dma_start3A_251, %dma_start3A_252] : memref<100000x64xf32, #tpu.memory_space<hbm>> -> memref<100000x64xf32, #tpu.memory_space<hbm>>
      tpu.enqueue_indirect_dma source(%dma_start3A_253 : memref<100000x64xf32, #tpu.memory_space<hbm>>) target(%dma_start3A_247 : memref<128x64xf32, #tpu.memory_space<vmem>>) offsets(%dma_start3A_250 : memref<128xi32, #tpu.memory_space<vmem>>) semaphore(%arg7 : memref<!tpu.dma_semaphore, #tpu.memory_space<semaphore_mem>>)
      %mul3A_254 = arith.constant 8 : i32
      %mul3A_255 = arith.muli %scan3A_106, %mul3A_254 : i32
      %add3A_256 = arith.constant 3 : i32
      %add3A_257 = arith.addi %mul3A_255, %add3A_256 : i32
      %dma_wait3A_258 = arith.constant 0 : i32
      %dma_wait3A_259 = arith.constant 0 : i32
      %dma_wait3A_260 = arith.constant 0 : i32
      %dma_wait3A_261 = arith.constant 0 : i32
      %dma_wait3A_262 = tpu.memref_slice %arg6[%dma_wait3A_259, %dma_wait3A_260, %dma_wait3A_261] : memref<8x128x64xf32, #tpu.memory_space<vmem>> -> memref<1x128x64xf32, #tpu.memory_space<vmem>>
      %dma_wait3A_263 = tpu.memref_squeeze %dma_wait3A_262 : memref<1x128x64xf32, #tpu.memory_space<vmem>> -> memref<128x64xf32, #tpu.memory_space<vmem>>
      %dma_wait3A_264 = arith.constant 0 : i32
      %dma_wait3A_265 = tpu.memref_slice %arg5[%dma_wait3A_258, %dma_wait3A_264] : memref<200x128xi32, #tpu.memory_space<vmem>> -> memref<1x128xi32, #tpu.memory_space<vmem>>
      %dma_wait3A_266 = tpu.memref_squeeze %dma_wait3A_265 : memref<1x128xi32, #tpu.memory_space<vmem>> -> memref<128xi32, #tpu.memory_space<vmem>>
      %dma_wait3A_267 = arith.constant 0 : i32
      %dma_wait3A_268 = arith.constant 0 : i32
      %dma_wait3A_269 = tpu.memref_slice %arg2[%dma_wait3A_267, %dma_wait3A_268] : memref<100000x64xf32, #tpu.memory_space<hbm>> -> memref<100000x64xf32, #tpu.memory_space<hbm>>
      tpu.wait_indirect_dma semaphore(%arg7 : memref<!tpu.dma_semaphore, #tpu.memory_space<semaphore_mem>>) src(%dma_wait3A_269 : memref<100000x64xf32, #tpu.memory_space<hbm>>) dst(%dma_wait3A_263 : memref<128x64xf32, #tpu.memory_space<vmem>>)
      %mul3A_270 = arith.constant 128 : i32
      %mul3A_271 = arith.muli %add3A_257, %mul3A_270 : i32
      %add3A_272 = arith.addi %mul3A_2, %mul3A_271 : i32
      %dma_start3A_273 = arith.constant 3 : i32
      %dma_start3A_274 = arith.constant 0 : i32
      %dma_start3A_275 = arith.constant 0 : i32
      %dma_start3A_276 = tpu.memref_slice %arg6[%dma_start3A_273, %dma_start3A_274, %dma_start3A_275] : memref<8x128x64xf32, #tpu.memory_space<vmem>> -> memref<1x128x64xf32, #tpu.memory_space<vmem>>
      %dma_start3A_277 = tpu.memref_squeeze %dma_start3A_276 : memref<1x128x64xf32, #tpu.memory_space<vmem>> -> memref<128x64xf32, #tpu.memory_space<vmem>>
      %dma_start3A_278 = arith.constant 0 : i32
      %dma_start3A_279 = tpu.memref_slice %arg4[%add3A_272, %dma_start3A_278] : memref<819200x64xf32, #tpu.memory_space<hbm>> -> memref<128x64xf32, #tpu.memory_space<hbm>>
      %dma_start3A_280 = arith.constant 0 : i32
      %dma_start3A_281 = tpu.memref_slice %arg4[%add3A_272, %dma_start3A_280] : memref<819200x64xf32, #tpu.memory_space<hbm>> -> memref<128x64xf32, #tpu.memory_space<hbm>>
      %dma_start3A_282 = arith.constant 0 : i32
      %dma_start3A_283 = arith.constant 0 : i32
      %dma_start3A_284 = tpu.memref_slice %arg6[%dma_start3A_273, %dma_start3A_282, %dma_start3A_283] : memref<8x128x64xf32, #tpu.memory_space<vmem>> -> memref<1x128x64xf32, #tpu.memory_space<vmem>>
      %dma_start3A_285 = tpu.memref_squeeze %dma_start3A_284 : memref<1x128x64xf32, #tpu.memory_space<vmem>> -> memref<128x64xf32, #tpu.memory_space<vmem>>
      tpu.enqueue_dma source(%dma_start3A_285 : memref<128x64xf32, #tpu.memory_space<vmem>>) target(%dma_start3A_281 : memref<128x64xf32, #tpu.memory_space<hbm>>) target_semaphore(%arg8 : memref<!tpu.dma_semaphore, #tpu.memory_space<semaphore_mem>>)
      %gt3A_286 = arith.constant 0 : i32
      %gt3A_287 = arith.cmpi sgt, %scan3A_106, %gt3A_286 : i32
      %convert_element_type3A_288 = arith.extui %gt3A_287 : i1 to i32
      %cond3A_289 = arith.constant 0 : i32
      %cond3A_290 = arith.cmpi ne, %convert_element_type3A_288, %cond3A_289 : i32
      scf.if %cond3A_290 {
        %dma_wait3A_503 = arith.constant 0 : i32
        %dma_wait3A_504 = arith.constant 0 : i32
        %dma_wait3A_505 = arith.constant 0 : i32
        %dma_wait3A_506 = tpu.memref_slice %arg6[%dma_wait3A_503, %dma_wait3A_504, %dma_wait3A_505] : memref<8x128x64xf32, #tpu.memory_space<vmem>> -> memref<1x128x64xf32, #tpu.memory_space<vmem>>
        %dma_wait3A_507 = tpu.memref_squeeze %dma_wait3A_506 : memref<1x128x64xf32, #tpu.memory_space<vmem>> -> memref<128x64xf32, #tpu.memory_space<vmem>>
        %dma_wait3A_508 = arith.constant 0 : i32
        %dma_wait3A_509 = tpu.memref_slice %arg4[%mul3A_2, %dma_wait3A_508] : memref<819200x64xf32, #tpu.memory_space<hbm>> -> memref<128x64xf32, #tpu.memory_space<hbm>>
        %dma_wait3A_510 = arith.constant 0 : i32
        %dma_wait3A_511 = tpu.memref_slice %arg4[%mul3A_2, %dma_wait3A_510] : memref<819200x64xf32, #tpu.memory_space<hbm>> -> memref<128x64xf32, #tpu.memory_space<hbm>>
        %dma_wait3A_512 = arith.constant 0 : i32
        %dma_wait3A_513 = arith.constant 0 : i32
        %dma_wait3A_514 = tpu.memref_slice %arg6[%dma_wait3A_503, %dma_wait3A_512, %dma_wait3A_513] : memref<8x128x64xf32, #tpu.memory_space<vmem>> -> memref<1x128x64xf32, #tpu.memory_space<vmem>>
        %dma_wait3A_515 = tpu.memref_squeeze %dma_wait3A_514 : memref<1x128x64xf32, #tpu.memory_space<vmem>> -> memref<128x64xf32, #tpu.memory_space<vmem>>
        tpu.wait_dma2 semaphore(%arg8 : memref<!tpu.dma_semaphore, #tpu.memory_space<semaphore_mem>>) src(%dma_wait3A_515 : memref<128x64xf32, #tpu.memory_space<vmem>>) dst(%dma_wait3A_511 : memref<128x64xf32, #tpu.memory_space<hbm>>)
      } else {
      }
      %add3A_291 = arith.constant 4 : i32
      %add3A_292 = arith.addi %add3A_257, %add3A_291 : i32
      %dma_start3A_293 = arith.constant 7 : i32
      %dma_start3A_294 = arith.constant 0 : i32
      %dma_start3A_295 = arith.constant 0 : i32
      %dma_start3A_296 = tpu.memref_slice %arg6[%dma_start3A_293, %dma_start3A_294, %dma_start3A_295] : memref<8x128x64xf32, #tpu.memory_space<vmem>> -> memref<1x128x64xf32, #tpu.memory_space<vmem>>
      %dma_start3A_297 = tpu.memref_squeeze %dma_start3A_296 : memref<1x128x64xf32, #tpu.memory_space<vmem>> -> memref<128x64xf32, #tpu.memory_space<vmem>>
      %dma_start3A_298 = arith.constant 0 : i32
      %dma_start3A_299 = tpu.memref_slice %arg5[%add3A_292, %dma_start3A_298] : memref<200x128xi32, #tpu.memory_space<vmem>> -> memref<1x128xi32, #tpu.memory_space<vmem>>
      %dma_start3A_300 = tpu.memref_squeeze %dma_start3A_299 : memref<1x128xi32, #tpu.memory_space<vmem>> -> memref<128xi32, #tpu.memory_space<vmem>>
      %dma_start3A_301 = arith.constant 0 : i32
      %dma_start3A_302 = arith.constant 0 : i32
      %dma_start3A_303 = tpu.memref_slice %arg2[%dma_start3A_301, %dma_start3A_302] : memref<100000x64xf32, #tpu.memory_space<hbm>> -> memref<100000x64xf32, #tpu.memory_space<hbm>>
      tpu.enqueue_indirect_dma source(%dma_start3A_303 : memref<100000x64xf32, #tpu.memory_space<hbm>>) target(%dma_start3A_297 : memref<128x64xf32, #tpu.memory_space<vmem>>) offsets(%dma_start3A_300 : memref<128xi32, #tpu.memory_space<vmem>>) semaphore(%arg7 : memref<!tpu.dma_semaphore, #tpu.memory_space<semaphore_mem>>)
      %mul3A_304 = arith.constant 8 : i32
      %mul3A_305 = arith.muli %scan3A_106, %mul3A_304 : i32
      %add3A_306 = arith.constant 4 : i32
      %add3A_307 = arith.addi %mul3A_305, %add3A_306 : i32
      %dma_wait3A_308 = arith.constant 0 : i32
      %dma_wait3A_309 = arith.constant 0 : i32
      %dma_wait3A_310 = arith.constant 0 : i32
      %dma_wait3A_311 = arith.constant 0 : i32
      %dma_wait3A_312 = tpu.memref_slice %arg6[%dma_wait3A_309, %dma_wait3A_310, %dma_wait3A_311] : memref<8x128x64xf32, #tpu.memory_space<vmem>> -> memref<1x128x64xf32, #tpu.memory_space<vmem>>
      %dma_wait3A_313 = tpu.memref_squeeze %dma_wait3A_312 : memref<1x128x64xf32, #tpu.memory_space<vmem>> -> memref<128x64xf32, #tpu.memory_space<vmem>>
      %dma_wait3A_314 = arith.constant 0 : i32
      %dma_wait3A_315 = tpu.memref_slice %arg5[%dma_wait3A_308, %dma_wait3A_314] : memref<200x128xi32, #tpu.memory_space<vmem>> -> memref<1x128xi32, #tpu.memory_space<vmem>>
      %dma_wait3A_316 = tpu.memref_squeeze %dma_wait3A_315 : memref<1x128xi32, #tpu.memory_space<vmem>> -> memref<128xi32, #tpu.memory_space<vmem>>
      %dma_wait3A_317 = arith.constant 0 : i32
      %dma_wait3A_318 = arith.constant 0 : i32
      %dma_wait3A_319 = tpu.memref_slice %arg2[%dma_wait3A_317, %dma_wait3A_318] : memref<100000x64xf32, #tpu.memory_space<hbm>> -> memref<100000x64xf32, #tpu.memory_space<hbm>>
      tpu.wait_indirect_dma semaphore(%arg7 : memref<!tpu.dma_semaphore, #tpu.memory_space<semaphore_mem>>) src(%dma_wait3A_319 : memref<100000x64xf32, #tpu.memory_space<hbm>>) dst(%dma_wait3A_313 : memref<128x64xf32, #tpu.memory_space<vmem>>)
      %mul3A_320 = arith.constant 128 : i32
      %mul3A_321 = arith.muli %add3A_307, %mul3A_320 : i32
      %add3A_322 = arith.addi %mul3A_2, %mul3A_321 : i32
      %dma_start3A_323 = arith.constant 4 : i32
      %dma_start3A_324 = arith.constant 0 : i32
      %dma_start3A_325 = arith.constant 0 : i32
      %dma_start3A_326 = tpu.memref_slice %arg6[%dma_start3A_323, %dma_start3A_324, %dma_start3A_325] : memref<8x128x64xf32, #tpu.memory_space<vmem>> -> memref<1x128x64xf32, #tpu.memory_space<vmem>>
      %dma_start3A_327 = tpu.memref_squeeze %dma_start3A_326 : memref<1x128x64xf32, #tpu.memory_space<vmem>> -> memref<128x64xf32, #tpu.memory_space<vmem>>
      %dma_start3A_328 = arith.constant 0 : i32
      %dma_start3A_329 = tpu.memref_slice %arg4[%add3A_322, %dma_start3A_328] : memref<819200x64xf32, #tpu.memory_space<hbm>> -> memref<128x64xf32, #tpu.memory_space<hbm>>
      %dma_start3A_330 = arith.constant 0 : i32
      %dma_start3A_331 = tpu.memref_slice %arg4[%add3A_322, %dma_start3A_330] : memref<819200x64xf32, #tpu.memory_space<hbm>> -> memref<128x64xf32, #tpu.memory_space<hbm>>
      %dma_start3A_332 = arith.constant 0 : i32
      %dma_start3A_333 = arith.constant 0 : i32
      %dma_start3A_334 = tpu.memref_slice %arg6[%dma_start3A_323, %dma_start3A_332, %dma_start3A_333] : memref<8x128x64xf32, #tpu.memory_space<vmem>> -> memref<1x128x64xf32, #tpu.memory_space<vmem>>
      %dma_start3A_335 = tpu.memref_squeeze %dma_start3A_334 : memref<1x128x64xf32, #tpu.memory_space<vmem>> -> memref<128x64xf32, #tpu.memory_space<vmem>>
      tpu.enqueue_dma source(%dma_start3A_335 : memref<128x64xf32, #tpu.memory_space<vmem>>) target(%dma_start3A_331 : memref<128x64xf32, #tpu.memory_space<hbm>>) target_semaphore(%arg8 : memref<!tpu.dma_semaphore, #tpu.memory_space<semaphore_mem>>)
      %dma_wait3A_336 = arith.constant 0 : i32
      %dma_wait3A_337 = arith.constant 0 : i32
      %dma_wait3A_338 = arith.constant 0 : i32
      %dma_wait3A_339 = tpu.memref_slice %arg6[%dma_wait3A_336, %dma_wait3A_337, %dma_wait3A_338] : memref<8x128x64xf32, #tpu.memory_space<vmem>> -> memref<1x128x64xf32, #tpu.memory_space<vmem>>
      %dma_wait3A_340 = tpu.memref_squeeze %dma_wait3A_339 : memref<1x128x64xf32, #tpu.memory_space<vmem>> -> memref<128x64xf32, #tpu.memory_space<vmem>>
      %dma_wait3A_341 = arith.constant 0 : i32
      %dma_wait3A_342 = tpu.memref_slice %arg4[%mul3A_2, %dma_wait3A_341] : memref<819200x64xf32, #tpu.memory_space<hbm>> -> memref<128x64xf32, #tpu.memory_space<hbm>>
      %dma_wait3A_343 = arith.constant 0 : i32
      %dma_wait3A_344 = tpu.memref_slice %arg4[%mul3A_2, %dma_wait3A_343] : memref<819200x64xf32, #tpu.memory_space<hbm>> -> memref<128x64xf32, #tpu.memory_space<hbm>>
      %dma_wait3A_345 = arith.constant 0 : i32
      %dma_wait3A_346 = arith.constant 0 : i32
      %dma_wait3A_347 = tpu.memref_slice %arg6[%dma_wait3A_336, %dma_wait3A_345, %dma_wait3A_346] : memref<8x128x64xf32, #tpu.memory_space<vmem>> -> memref<1x128x64xf32, #tpu.memory_space<vmem>>
      %dma_wait3A_348 = tpu.memref_squeeze %dma_wait3A_347 : memref<1x128x64xf32, #tpu.memory_space<vmem>> -> memref<128x64xf32, #tpu.memory_space<vmem>>
      tpu.wait_dma2 semaphore(%arg8 : memref<!tpu.dma_semaphore, #tpu.memory_space<semaphore_mem>>) src(%dma_wait3A_348 : memref<128x64xf32, #tpu.memory_space<vmem>>) dst(%dma_wait3A_344 : memref<128x64xf32, #tpu.memory_space<hbm>>)
      %lt3A = arith.constant 24 : i32
      %lt3A_349 = arith.cmpi slt, %scan3A_106, %lt3A : i32
      %convert_element_type3A_350 = arith.extui %lt3A_349 : i1 to i32
      %cond3A_351 = arith.constant 0 : i32
      %cond3A_352 = arith.cmpi ne, %convert_element_type3A_350, %cond3A_351 : i32
      scf.if %cond3A_352 {
        %add3A_503 = arith.constant 4 : i32
        %add3A_504 = arith.addi %add3A_307, %add3A_503 : i32
        %dma_start3A_505 = arith.constant 0 : i32
        %dma_start3A_506 = arith.constant 0 : i32
        %dma_start3A_507 = arith.constant 0 : i32
        %dma_start3A_508 = tpu.memref_slice %arg6[%dma_start3A_505, %dma_start3A_506, %dma_start3A_507] : memref<8x128x64xf32, #tpu.memory_space<vmem>> -> memref<1x128x64xf32, #tpu.memory_space<vmem>>
        %dma_start3A_509 = tpu.memref_squeeze %dma_start3A_508 : memref<1x128x64xf32, #tpu.memory_space<vmem>> -> memref<128x64xf32, #tpu.memory_space<vmem>>
        %dma_start3A_510 = arith.constant 0 : i32
        %dma_start3A_511 = tpu.memref_slice %arg5[%add3A_504, %dma_start3A_510] : memref<200x128xi32, #tpu.memory_space<vmem>> -> memref<1x128xi32, #tpu.memory_space<vmem>>
        %dma_start3A_512 = tpu.memref_squeeze %dma_start3A_511 : memref<1x128xi32, #tpu.memory_space<vmem>> -> memref<128xi32, #tpu.memory_space<vmem>>
        %dma_start3A_513 = arith.constant 0 : i32
        %dma_start3A_514 = arith.constant 0 : i32
        %dma_start3A_515 = tpu.memref_slice %arg2[%dma_start3A_513, %dma_start3A_514] : memref<100000x64xf32, #tpu.memory_space<hbm>> -> memref<100000x64xf32, #tpu.memory_space<hbm>>
        tpu.enqueue_indirect_dma source(%dma_start3A_515 : memref<100000x64xf32, #tpu.memory_space<hbm>>) target(%dma_start3A_509 : memref<128x64xf32, #tpu.memory_space<vmem>>) offsets(%dma_start3A_512 : memref<128xi32, #tpu.memory_space<vmem>>) semaphore(%arg7 : memref<!tpu.dma_semaphore, #tpu.memory_space<semaphore_mem>>)
      } else {
      }
      %mul3A_353 = arith.constant 8 : i32
      %mul3A_354 = arith.muli %scan3A_106, %mul3A_353 : i32
      %add3A_355 = arith.constant 5 : i32
      %add3A_356 = arith.addi %mul3A_354, %add3A_355 : i32
      %dma_wait3A_357 = arith.constant 0 : i32
      %dma_wait3A_358 = arith.constant 0 : i32
      %dma_wait3A_359 = arith.constant 0 : i32
      %dma_wait3A_360 = arith.constant 0 : i32
      %dma_wait3A_361 = tpu.memref_slice %arg6[%dma_wait3A_358, %dma_wait3A_359, %dma_wait3A_360] : memref<8x128x64xf32, #tpu.memory_space<vmem>> -> memref<1x128x64xf32, #tpu.memory_space<vmem>>
      %dma_wait3A_362 = tpu.memref_squeeze %dma_wait3A_361 : memref<1x128x64xf32, #tpu.memory_space<vmem>> -> memref<128x64xf32, #tpu.memory_space<vmem>>
      %dma_wait3A_363 = arith.constant 0 : i32
      %dma_wait3A_364 = tpu.memref_slice %arg5[%dma_wait3A_357, %dma_wait3A_363] : memref<200x128xi32, #tpu.memory_space<vmem>> -> memref<1x128xi32, #tpu.memory_space<vmem>>
      %dma_wait3A_365 = tpu.memref_squeeze %dma_wait3A_364 : memref<1x128xi32, #tpu.memory_space<vmem>> -> memref<128xi32, #tpu.memory_space<vmem>>
      %dma_wait3A_366 = arith.constant 0 : i32
      %dma_wait3A_367 = arith.constant 0 : i32
      %dma_wait3A_368 = tpu.memref_slice %arg2[%dma_wait3A_366, %dma_wait3A_367] : memref<100000x64xf32, #tpu.memory_space<hbm>> -> memref<100000x64xf32, #tpu.memory_space<hbm>>
      tpu.wait_indirect_dma semaphore(%arg7 : memref<!tpu.dma_semaphore, #tpu.memory_space<semaphore_mem>>) src(%dma_wait3A_368 : memref<100000x64xf32, #tpu.memory_space<hbm>>) dst(%dma_wait3A_362 : memref<128x64xf32, #tpu.memory_space<vmem>>)
      %mul3A_369 = arith.constant 128 : i32
      %mul3A_370 = arith.muli %add3A_356, %mul3A_369 : i32
      %add3A_371 = arith.addi %mul3A_2, %mul3A_370 : i32
      %dma_start3A_372 = arith.constant 5 : i32
      %dma_start3A_373 = arith.constant 0 : i32
      %dma_start3A_374 = arith.constant 0 : i32
      %dma_start3A_375 = tpu.memref_slice %arg6[%dma_start3A_372, %dma_start3A_373, %dma_start3A_374] : memref<8x128x64xf32, #tpu.memory_space<vmem>> -> memref<1x128x64xf32, #tpu.memory_space<vmem>>
      %dma_start3A_376 = tpu.memref_squeeze %dma_start3A_375 : memref<1x128x64xf32, #tpu.memory_space<vmem>> -> memref<128x64xf32, #tpu.memory_space<vmem>>
      %dma_start3A_377 = arith.constant 0 : i32
      %dma_start3A_378 = tpu.memref_slice %arg4[%add3A_371, %dma_start3A_377] : memref<819200x64xf32, #tpu.memory_space<hbm>> -> memref<128x64xf32, #tpu.memory_space<hbm>>
      %dma_start3A_379 = arith.constant 0 : i32
      %dma_start3A_380 = tpu.memref_slice %arg4[%add3A_371, %dma_start3A_379] : memref<819200x64xf32, #tpu.memory_space<hbm>> -> memref<128x64xf32, #tpu.memory_space<hbm>>
      %dma_start3A_381 = arith.constant 0 : i32
      %dma_start3A_382 = arith.constant 0 : i32
      %dma_start3A_383 = tpu.memref_slice %arg6[%dma_start3A_372, %dma_start3A_381, %dma_start3A_382] : memref<8x128x64xf32, #tpu.memory_space<vmem>> -> memref<1x128x64xf32, #tpu.memory_space<vmem>>
      %dma_start3A_384 = tpu.memref_squeeze %dma_start3A_383 : memref<1x128x64xf32, #tpu.memory_space<vmem>> -> memref<128x64xf32, #tpu.memory_space<vmem>>
      tpu.enqueue_dma source(%dma_start3A_384 : memref<128x64xf32, #tpu.memory_space<vmem>>) target(%dma_start3A_380 : memref<128x64xf32, #tpu.memory_space<hbm>>) target_semaphore(%arg8 : memref<!tpu.dma_semaphore, #tpu.memory_space<semaphore_mem>>)
      %dma_wait3A_385 = arith.constant 0 : i32
      %dma_wait3A_386 = arith.constant 0 : i32
      %dma_wait3A_387 = arith.constant 0 : i32
      %dma_wait3A_388 = tpu.memref_slice %arg6[%dma_wait3A_385, %dma_wait3A_386, %dma_wait3A_387] : memref<8x128x64xf32, #tpu.memory_space<vmem>> -> memref<1x128x64xf32, #tpu.memory_space<vmem>>
      %dma_wait3A_389 = tpu.memref_squeeze %dma_wait3A_388 : memref<1x128x64xf32, #tpu.memory_space<vmem>> -> memref<128x64xf32, #tpu.memory_space<vmem>>
      %dma_wait3A_390 = arith.constant 0 : i32
      %dma_wait3A_391 = tpu.memref_slice %arg4[%mul3A_2, %dma_wait3A_390] : memref<819200x64xf32, #tpu.memory_space<hbm>> -> memref<128x64xf32, #tpu.memory_space<hbm>>
      %dma_wait3A_392 = arith.constant 0 : i32
      %dma_wait3A_393 = tpu.memref_slice %arg4[%mul3A_2, %dma_wait3A_392] : memref<819200x64xf32, #tpu.memory_space<hbm>> -> memref<128x64xf32, #tpu.memory_space<hbm>>
      %dma_wait3A_394 = arith.constant 0 : i32
      %dma_wait3A_395 = arith.constant 0 : i32
      %dma_wait3A_396 = tpu.memref_slice %arg6[%dma_wait3A_385, %dma_wait3A_394, %dma_wait3A_395] : memref<8x128x64xf32, #tpu.memory_space<vmem>> -> memref<1x128x64xf32, #tpu.memory_space<vmem>>
      %dma_wait3A_397 = tpu.memref_squeeze %dma_wait3A_396 : memref<1x128x64xf32, #tpu.memory_space<vmem>> -> memref<128x64xf32, #tpu.memory_space<vmem>>
      tpu.wait_dma2 semaphore(%arg8 : memref<!tpu.dma_semaphore, #tpu.memory_space<semaphore_mem>>) src(%dma_wait3A_397 : memref<128x64xf32, #tpu.memory_space<vmem>>) dst(%dma_wait3A_393 : memref<128x64xf32, #tpu.memory_space<hbm>>)
      %lt3A_398 = arith.constant 24 : i32
      %lt3A_399 = arith.cmpi slt, %scan3A_106, %lt3A_398 : i32
      %convert_element_type3A_400 = arith.extui %lt3A_399 : i1 to i32
      %cond3A_401 = arith.constant 0 : i32
      %cond3A_402 = arith.cmpi ne, %convert_element_type3A_400, %cond3A_401 : i32
      scf.if %cond3A_402 {
        %add3A_503 = arith.constant 4 : i32
        %add3A_504 = arith.addi %add3A_356, %add3A_503 : i32
        %dma_start3A_505 = arith.constant 1 : i32
        %dma_start3A_506 = arith.constant 0 : i32
        %dma_start3A_507 = arith.constant 0 : i32
        %dma_start3A_508 = tpu.memref_slice %arg6[%dma_start3A_505, %dma_start3A_506, %dma_start3A_507] : memref<8x128x64xf32, #tpu.memory_space<vmem>> -> memref<1x128x64xf32, #tpu.memory_space<vmem>>
        %dma_start3A_509 = tpu.memref_squeeze %dma_start3A_508 : memref<1x128x64xf32, #tpu.memory_space<vmem>> -> memref<128x64xf32, #tpu.memory_space<vmem>>
        %dma_start3A_510 = arith.constant 0 : i32
        %dma_start3A_511 = tpu.memref_slice %arg5[%add3A_504, %dma_start3A_510] : memref<200x128xi32, #tpu.memory_space<vmem>> -> memref<1x128xi32, #tpu.memory_space<vmem>>
        %dma_start3A_512 = tpu.memref_squeeze %dma_start3A_511 : memref<1x128xi32, #tpu.memory_space<vmem>> -> memref<128xi32, #tpu.memory_space<vmem>>
        %dma_start3A_513 = arith.constant 0 : i32
        %dma_start3A_514 = arith.constant 0 : i32
        %dma_start3A_515 = tpu.memref_slice %arg2[%dma_start3A_513, %dma_start3A_514] : memref<100000x64xf32, #tpu.memory_space<hbm>> -> memref<100000x64xf32, #tpu.memory_space<hbm>>
        tpu.enqueue_indirect_dma source(%dma_start3A_515 : memref<100000x64xf32, #tpu.memory_space<hbm>>) target(%dma_start3A_509 : memref<128x64xf32, #tpu.memory_space<vmem>>) offsets(%dma_start3A_512 : memref<128xi32, #tpu.memory_space<vmem>>) semaphore(%arg7 : memref<!tpu.dma_semaphore, #tpu.memory_space<semaphore_mem>>)
      } else {
      }
      %mul3A_403 = arith.constant 8 : i32
      %mul3A_404 = arith.muli %scan3A_106, %mul3A_403 : i32
      %add3A_405 = arith.constant 6 : i32
      %add3A_406 = arith.addi %mul3A_404, %add3A_405 : i32
      %dma_wait3A_407 = arith.constant 0 : i32
      %dma_wait3A_408 = arith.constant 0 : i32
      %dma_wait3A_409 = arith.constant 0 : i32
      %dma_wait3A_410 = arith.constant 0 : i32
      %dma_wait3A_411 = tpu.memref_slice %arg6[%dma_wait3A_408, %dma_wait3A_409, %dma_wait3A_410] : memref<8x128x64xf32, #tpu.memory_space<vmem>> -> memref<1x128x64xf32, #tpu.memory_space<vmem>>
      %dma_wait3A_412 = tpu.memref_squeeze %dma_wait3A_411 : memref<1x128x64xf32, #tpu.memory_space<vmem>> -> memref<128x64xf32, #tpu.memory_space<vmem>>
      %dma_wait3A_413 = arith.constant 0 : i32
      %dma_wait3A_414 = tpu.memref_slice %arg5[%dma_wait3A_407, %dma_wait3A_413] : memref<200x128xi32, #tpu.memory_space<vmem>> -> memref<1x128xi32, #tpu.memory_space<vmem>>
      %dma_wait3A_415 = tpu.memref_squeeze %dma_wait3A_414 : memref<1x128xi32, #tpu.memory_space<vmem>> -> memref<128xi32, #tpu.memory_space<vmem>>
      %dma_wait3A_416 = arith.constant 0 : i32
      %dma_wait3A_417 = arith.constant 0 : i32
      %dma_wait3A_418 = tpu.memref_slice %arg2[%dma_wait3A_416, %dma_wait3A_417] : memref<100000x64xf32, #tpu.memory_space<hbm>> -> memref<100000x64xf32, #tpu.memory_space<hbm>>
      tpu.wait_indirect_dma semaphore(%arg7 : memref<!tpu.dma_semaphore, #tpu.memory_space<semaphore_mem>>) src(%dma_wait3A_418 : memref<100000x64xf32, #tpu.memory_space<hbm>>) dst(%dma_wait3A_412 : memref<128x64xf32, #tpu.memory_space<vmem>>)
      %mul3A_419 = arith.constant 128 : i32
      %mul3A_420 = arith.muli %add3A_406, %mul3A_419 : i32
      %add3A_421 = arith.addi %mul3A_2, %mul3A_420 : i32
      %dma_start3A_422 = arith.constant 6 : i32
      %dma_start3A_423 = arith.constant 0 : i32
      %dma_start3A_424 = arith.constant 0 : i32
      %dma_start3A_425 = tpu.memref_slice %arg6[%dma_start3A_422, %dma_start3A_423, %dma_start3A_424] : memref<8x128x64xf32, #tpu.memory_space<vmem>> -> memref<1x128x64xf32, #tpu.memory_space<vmem>>
      %dma_start3A_426 = tpu.memref_squeeze %dma_start3A_425 : memref<1x128x64xf32, #tpu.memory_space<vmem>> -> memref<128x64xf32, #tpu.memory_space<vmem>>
      %dma_start3A_427 = arith.constant 0 : i32
      %dma_start3A_428 = tpu.memref_slice %arg4[%add3A_421, %dma_start3A_427] : memref<819200x64xf32, #tpu.memory_space<hbm>> -> memref<128x64xf32, #tpu.memory_space<hbm>>
      %dma_start3A_429 = arith.constant 0 : i32
      %dma_start3A_430 = tpu.memref_slice %arg4[%add3A_421, %dma_start3A_429] : memref<819200x64xf32, #tpu.memory_space<hbm>> -> memref<128x64xf32, #tpu.memory_space<hbm>>
      %dma_start3A_431 = arith.constant 0 : i32
      %dma_start3A_432 = arith.constant 0 : i32
      %dma_start3A_433 = tpu.memref_slice %arg6[%dma_start3A_422, %dma_start3A_431, %dma_start3A_432] : memref<8x128x64xf32, #tpu.memory_space<vmem>> -> memref<1x128x64xf32, #tpu.memory_space<vmem>>
      %dma_start3A_434 = tpu.memref_squeeze %dma_start3A_433 : memref<1x128x64xf32, #tpu.memory_space<vmem>> -> memref<128x64xf32, #tpu.memory_space<vmem>>
      tpu.enqueue_dma source(%dma_start3A_434 : memref<128x64xf32, #tpu.memory_space<vmem>>) target(%dma_start3A_430 : memref<128x64xf32, #tpu.memory_space<hbm>>) target_semaphore(%arg8 : memref<!tpu.dma_semaphore, #tpu.memory_space<semaphore_mem>>)
      %dma_wait3A_435 = arith.constant 0 : i32
      %dma_wait3A_436 = arith.constant 0 : i32
      %dma_wait3A_437 = arith.constant 0 : i32
      %dma_wait3A_438 = tpu.memref_slice %arg6[%dma_wait3A_435, %dma_wait3A_436, %dma_wait3A_437] : memref<8x128x64xf32, #tpu.memory_space<vmem>> -> memref<1x128x64xf32, #tpu.memory_space<vmem>>
      %dma_wait3A_439 = tpu.memref_squeeze %dma_wait3A_438 : memref<1x128x64xf32, #tpu.memory_space<vmem>> -> memref<128x64xf32, #tpu.memory_space<vmem>>
      %dma_wait3A_440 = arith.constant 0 : i32
      %dma_wait3A_441 = tpu.memref_slice %arg4[%mul3A_2, %dma_wait3A_440] : memref<819200x64xf32, #tpu.memory_space<hbm>> -> memref<128x64xf32, #tpu.memory_space<hbm>>
      %dma_wait3A_442 = arith.constant 0 : i32
      %dma_wait3A_443 = tpu.memref_slice %arg4[%mul3A_2, %dma_wait3A_442] : memref<819200x64xf32, #tpu.memory_space<hbm>> -> memref<128x64xf32, #tpu.memory_space<hbm>>
      %dma_wait3A_444 = arith.constant 0 : i32
      %dma_wait3A_445 = arith.constant 0 : i32
      %dma_wait3A_446 = tpu.memref_slice %arg6[%dma_wait3A_435, %dma_wait3A_444, %dma_wait3A_445] : memref<8x128x64xf32, #tpu.memory_space<vmem>> -> memref<1x128x64xf32, #tpu.memory_space<vmem>>
      %dma_wait3A_447 = tpu.memref_squeeze %dma_wait3A_446 : memref<1x128x64xf32, #tpu.memory_space<vmem>> -> memref<128x64xf32, #tpu.memory_space<vmem>>
      tpu.wait_dma2 semaphore(%arg8 : memref<!tpu.dma_semaphore, #tpu.memory_space<semaphore_mem>>) src(%dma_wait3A_447 : memref<128x64xf32, #tpu.memory_space<vmem>>) dst(%dma_wait3A_443 : memref<128x64xf32, #tpu.memory_space<hbm>>)
      %lt3A_448 = arith.constant 24 : i32
      %lt3A_449 = arith.cmpi slt, %scan3A_106, %lt3A_448 : i32
      %convert_element_type3A_450 = arith.extui %lt3A_449 : i1 to i32
      %cond3A_451 = arith.constant 0 : i32
      %cond3A_452 = arith.cmpi ne, %convert_element_type3A_450, %cond3A_451 : i32
      scf.if %cond3A_452 {
        %add3A_503 = arith.constant 4 : i32
        %add3A_504 = arith.addi %add3A_406, %add3A_503 : i32
        %dma_start3A_505 = arith.constant 2 : i32
        %dma_start3A_506 = arith.constant 0 : i32
        %dma_start3A_507 = arith.constant 0 : i32
        %dma_start3A_508 = tpu.memref_slice %arg6[%dma_start3A_505, %dma_start3A_506, %dma_start3A_507] : memref<8x128x64xf32, #tpu.memory_space<vmem>> -> memref<1x128x64xf32, #tpu.memory_space<vmem>>
        %dma_start3A_509 = tpu.memref_squeeze %dma_start3A_508 : memref<1x128x64xf32, #tpu.memory_space<vmem>> -> memref<128x64xf32, #tpu.memory_space<vmem>>
        %dma_start3A_510 = arith.constant 0 : i32
        %dma_start3A_511 = tpu.memref_slice %arg5[%add3A_504, %dma_start3A_510] : memref<200x128xi32, #tpu.memory_space<vmem>> -> memref<1x128xi32, #tpu.memory_space<vmem>>
        %dma_start3A_512 = tpu.memref_squeeze %dma_start3A_511 : memref<1x128xi32, #tpu.memory_space<vmem>> -> memref<128xi32, #tpu.memory_space<vmem>>
        %dma_start3A_513 = arith.constant 0 : i32
        %dma_start3A_514 = arith.constant 0 : i32
        %dma_start3A_515 = tpu.memref_slice %arg2[%dma_start3A_513, %dma_start3A_514] : memref<100000x64xf32, #tpu.memory_space<hbm>> -> memref<100000x64xf32, #tpu.memory_space<hbm>>
        tpu.enqueue_indirect_dma source(%dma_start3A_515 : memref<100000x64xf32, #tpu.memory_space<hbm>>) target(%dma_start3A_509 : memref<128x64xf32, #tpu.memory_space<vmem>>) offsets(%dma_start3A_512 : memref<128xi32, #tpu.memory_space<vmem>>) semaphore(%arg7 : memref<!tpu.dma_semaphore, #tpu.memory_space<semaphore_mem>>)
      } else {
      }
      %mul3A_453 = arith.constant 8 : i32
      %mul3A_454 = arith.muli %scan3A_106, %mul3A_453 : i32
      %add3A_455 = arith.constant 7 : i32
      %add3A_456 = arith.addi %mul3A_454, %add3A_455 : i32
      %dma_wait3A_457 = arith.constant 0 : i32
      %dma_wait3A_458 = arith.constant 0 : i32
      %dma_wait3A_459 = arith.constant 0 : i32
      %dma_wait3A_460 = arith.constant 0 : i32
      %dma_wait3A_461 = tpu.memref_slice %arg6[%dma_wait3A_458, %dma_wait3A_459, %dma_wait3A_460] : memref<8x128x64xf32, #tpu.memory_space<vmem>> -> memref<1x128x64xf32, #tpu.memory_space<vmem>>
      %dma_wait3A_462 = tpu.memref_squeeze %dma_wait3A_461 : memref<1x128x64xf32, #tpu.memory_space<vmem>> -> memref<128x64xf32, #tpu.memory_space<vmem>>
      %dma_wait3A_463 = arith.constant 0 : i32
      %dma_wait3A_464 = tpu.memref_slice %arg5[%dma_wait3A_457, %dma_wait3A_463] : memref<200x128xi32, #tpu.memory_space<vmem>> -> memref<1x128xi32, #tpu.memory_space<vmem>>
      %dma_wait3A_465 = tpu.memref_squeeze %dma_wait3A_464 : memref<1x128xi32, #tpu.memory_space<vmem>> -> memref<128xi32, #tpu.memory_space<vmem>>
      %dma_wait3A_466 = arith.constant 0 : i32
      %dma_wait3A_467 = arith.constant 0 : i32
      %dma_wait3A_468 = tpu.memref_slice %arg2[%dma_wait3A_466, %dma_wait3A_467] : memref<100000x64xf32, #tpu.memory_space<hbm>> -> memref<100000x64xf32, #tpu.memory_space<hbm>>
      tpu.wait_indirect_dma semaphore(%arg7 : memref<!tpu.dma_semaphore, #tpu.memory_space<semaphore_mem>>) src(%dma_wait3A_468 : memref<100000x64xf32, #tpu.memory_space<hbm>>) dst(%dma_wait3A_462 : memref<128x64xf32, #tpu.memory_space<vmem>>)
      %mul3A_469 = arith.constant 128 : i32
      %mul3A_470 = arith.muli %add3A_456, %mul3A_469 : i32
      %add3A_471 = arith.addi %mul3A_2, %mul3A_470 : i32
      %dma_start3A_472 = arith.constant 7 : i32
      %dma_start3A_473 = arith.constant 0 : i32
      %dma_start3A_474 = arith.constant 0 : i32
      %dma_start3A_475 = tpu.memref_slice %arg6[%dma_start3A_472, %dma_start3A_473, %dma_start3A_474] : memref<8x128x64xf32, #tpu.memory_space<vmem>> -> memref<1x128x64xf32, #tpu.memory_space<vmem>>
      %dma_start3A_476 = tpu.memref_squeeze %dma_start3A_475 : memref<1x128x64xf32, #tpu.memory_space<vmem>> -> memref<128x64xf32, #tpu.memory_space<vmem>>
      %dma_start3A_477 = arith.constant 0 : i32
      %dma_start3A_478 = tpu.memref_slice %arg4[%add3A_471, %dma_start3A_477] : memref<819200x64xf32, #tpu.memory_space<hbm>> -> memref<128x64xf32, #tpu.memory_space<hbm>>
      %dma_start3A_479 = arith.constant 0 : i32
      %dma_start3A_480 = tpu.memref_slice %arg4[%add3A_471, %dma_start3A_479] : memref<819200x64xf32, #tpu.memory_space<hbm>> -> memref<128x64xf32, #tpu.memory_space<hbm>>
      %dma_start3A_481 = arith.constant 0 : i32
      %dma_start3A_482 = arith.constant 0 : i32
      %dma_start3A_483 = tpu.memref_slice %arg6[%dma_start3A_472, %dma_start3A_481, %dma_start3A_482] : memref<8x128x64xf32, #tpu.memory_space<vmem>> -> memref<1x128x64xf32, #tpu.memory_space<vmem>>
      %dma_start3A_484 = tpu.memref_squeeze %dma_start3A_483 : memref<1x128x64xf32, #tpu.memory_space<vmem>> -> memref<128x64xf32, #tpu.memory_space<vmem>>
      tpu.enqueue_dma source(%dma_start3A_484 : memref<128x64xf32, #tpu.memory_space<vmem>>) target(%dma_start3A_480 : memref<128x64xf32, #tpu.memory_space<hbm>>) target_semaphore(%arg8 : memref<!tpu.dma_semaphore, #tpu.memory_space<semaphore_mem>>)
      %dma_wait3A_485 = arith.constant 0 : i32
      %dma_wait3A_486 = arith.constant 0 : i32
      %dma_wait3A_487 = arith.constant 0 : i32
      %dma_wait3A_488 = tpu.memref_slice %arg6[%dma_wait3A_485, %dma_wait3A_486, %dma_wait3A_487] : memref<8x128x64xf32, #tpu.memory_space<vmem>> -> memref<1x128x64xf32, #tpu.memory_space<vmem>>
      %dma_wait3A_489 = tpu.memref_squeeze %dma_wait3A_488 : memref<1x128x64xf32, #tpu.memory_space<vmem>> -> memref<128x64xf32, #tpu.memory_space<vmem>>
      %dma_wait3A_490 = arith.constant 0 : i32
      %dma_wait3A_491 = tpu.memref_slice %arg4[%mul3A_2, %dma_wait3A_490] : memref<819200x64xf32, #tpu.memory_space<hbm>> -> memref<128x64xf32, #tpu.memory_space<hbm>>
      %dma_wait3A_492 = arith.constant 0 : i32
      %dma_wait3A_493 = tpu.memref_slice %arg4[%mul3A_2, %dma_wait3A_492] : memref<819200x64xf32, #tpu.memory_space<hbm>> -> memref<128x64xf32, #tpu.memory_space<hbm>>
      %dma_wait3A_494 = arith.constant 0 : i32
      %dma_wait3A_495 = arith.constant 0 : i32
      %dma_wait3A_496 = tpu.memref_slice %arg6[%dma_wait3A_485, %dma_wait3A_494, %dma_wait3A_495] : memref<8x128x64xf32, #tpu.memory_space<vmem>> -> memref<1x128x64xf32, #tpu.memory_space<vmem>>
      %dma_wait3A_497 = tpu.memref_squeeze %dma_wait3A_496 : memref<1x128x64xf32, #tpu.memory_space<vmem>> -> memref<128x64xf32, #tpu.memory_space<vmem>>
      tpu.wait_dma2 semaphore(%arg8 : memref<!tpu.dma_semaphore, #tpu.memory_space<semaphore_mem>>) src(%dma_wait3A_497 : memref<128x64xf32, #tpu.memory_space<vmem>>) dst(%dma_wait3A_493 : memref<128x64xf32, #tpu.memory_space<hbm>>)
      %lt3A_498 = arith.constant 24 : i32
      %lt3A_499 = arith.cmpi slt, %scan3A_106, %lt3A_498 : i32
      %convert_element_type3A_500 = arith.extui %lt3A_499 : i1 to i32
      %cond3A_501 = arith.constant 0 : i32
      %cond3A_502 = arith.cmpi ne, %convert_element_type3A_500, %cond3A_501 : i32
      scf.if %cond3A_502 {
        %add3A_503 = arith.constant 4 : i32
        %add3A_504 = arith.addi %add3A_456, %add3A_503 : i32
        %dma_start3A_505 = arith.constant 3 : i32
        %dma_start3A_506 = arith.constant 0 : i32
        %dma_start3A_507 = arith.constant 0 : i32
        %dma_start3A_508 = tpu.memref_slice %arg6[%dma_start3A_505, %dma_start3A_506, %dma_start3A_507] : memref<8x128x64xf32, #tpu.memory_space<vmem>> -> memref<1x128x64xf32, #tpu.memory_space<vmem>>
        %dma_start3A_509 = tpu.memref_squeeze %dma_start3A_508 : memref<1x128x64xf32, #tpu.memory_space<vmem>> -> memref<128x64xf32, #tpu.memory_space<vmem>>
        %dma_start3A_510 = arith.constant 0 : i32
        %dma_start3A_511 = tpu.memref_slice %arg5[%add3A_504, %dma_start3A_510] : memref<200x128xi32, #tpu.memory_space<vmem>> -> memref<1x128xi32, #tpu.memory_space<vmem>>
        %dma_start3A_512 = tpu.memref_squeeze %dma_start3A_511 : memref<1x128xi32, #tpu.memory_space<vmem>> -> memref<128xi32, #tpu.memory_space<vmem>>
        %dma_start3A_513 = arith.constant 0 : i32
        %dma_start3A_514 = arith.constant 0 : i32
        %dma_start3A_515 = tpu.memref_slice %arg2[%dma_start3A_513, %dma_start3A_514] : memref<100000x64xf32, #tpu.memory_space<hbm>> -> memref<100000x64xf32, #tpu.memory_space<hbm>>
        tpu.enqueue_indirect_dma source(%dma_start3A_515 : memref<100000x64xf32, #tpu.memory_space<hbm>>) target(%dma_start3A_509 : memref<128x64xf32, #tpu.memory_space<vmem>>) offsets(%dma_start3A_512 : memref<128xi32, #tpu.memory_space<vmem>>) semaphore(%arg7 : memref<!tpu.dma_semaphore, #tpu.memory_space<semaphore_mem>>)
      } else {
      }
    }
    %scan3A_54 = arith.constant 25 : i32
    %dma_wait3A = arith.constant 0 : i32
    %dma_wait3A_55 = arith.constant 0 : i32
    %dma_wait3A_56 = arith.constant 0 : i32
    %dma_wait3A_57 = tpu.memref_slice %arg6[%dma_wait3A, %dma_wait3A_55, %dma_wait3A_56] : memref<8x128x64xf32, #tpu.memory_space<vmem>> -> memref<1x128x64xf32, #tpu.memory_space<vmem>>
    %dma_wait3A_58 = tpu.memref_squeeze %dma_wait3A_57 : memref<1x128x64xf32, #tpu.memory_space<vmem>> -> memref<128x64xf32, #tpu.memory_space<vmem>>
    %dma_wait3A_59 = arith.constant 0 : i32
    %dma_wait3A_60 = tpu.memref_slice %arg4[%mul3A_2, %dma_wait3A_59] : memref<819200x64xf32, #tpu.memory_space<hbm>> -> memref<128x64xf32, #tpu.memory_space<hbm>>
    %dma_wait3A_61 = arith.constant 0 : i32
    %dma_wait3A_62 = tpu.memref_slice %arg4[%mul3A_2, %dma_wait3A_61] : memref<819200x64xf32, #tpu.memory_space<hbm>> -> memref<128x64xf32, #tpu.memory_space<hbm>>
    %dma_wait3A_63 = arith.constant 0 : i32
    %dma_wait3A_64 = arith.constant 0 : i32
    %dma_wait3A_65 = tpu.memref_slice %arg6[%dma_wait3A, %dma_wait3A_63, %dma_wait3A_64] : memref<8x128x64xf32, #tpu.memory_space<vmem>> -> memref<1x128x64xf32, #tpu.memory_space<vmem>>
    %dma_wait3A_66 = tpu.memref_squeeze %dma_wait3A_65 : memref<1x128x64xf32, #tpu.memory_space<vmem>> -> memref<128x64xf32, #tpu.memory_space<vmem>>
    tpu.wait_dma2 semaphore(%arg8 : memref<!tpu.dma_semaphore, #tpu.memory_space<semaphore_mem>>) src(%dma_wait3A_66 : memref<128x64xf32, #tpu.memory_space<vmem>>) dst(%dma_wait3A_62 : memref<128x64xf32, #tpu.memory_space<hbm>>)
    %dma_wait3A_67 = arith.constant 0 : i32
    %dma_wait3A_68 = arith.constant 0 : i32
    %dma_wait3A_69 = arith.constant 0 : i32
    %dma_wait3A_70 = tpu.memref_slice %arg6[%dma_wait3A_67, %dma_wait3A_68, %dma_wait3A_69] : memref<8x128x64xf32, #tpu.memory_space<vmem>> -> memref<1x128x64xf32, #tpu.memory_space<vmem>>
    %dma_wait3A_71 = tpu.memref_squeeze %dma_wait3A_70 : memref<1x128x64xf32, #tpu.memory_space<vmem>> -> memref<128x64xf32, #tpu.memory_space<vmem>>
    %dma_wait3A_72 = arith.constant 0 : i32
    %dma_wait3A_73 = tpu.memref_slice %arg4[%mul3A_2, %dma_wait3A_72] : memref<819200x64xf32, #tpu.memory_space<hbm>> -> memref<128x64xf32, #tpu.memory_space<hbm>>
    %dma_wait3A_74 = arith.constant 0 : i32
    %dma_wait3A_75 = tpu.memref_slice %arg4[%mul3A_2, %dma_wait3A_74] : memref<819200x64xf32, #tpu.memory_space<hbm>> -> memref<128x64xf32, #tpu.memory_space<hbm>>
    %dma_wait3A_76 = arith.constant 0 : i32
    %dma_wait3A_77 = arith.constant 0 : i32
    %dma_wait3A_78 = tpu.memref_slice %arg6[%dma_wait3A_67, %dma_wait3A_76, %dma_wait3A_77] : memref<8x128x64xf32, #tpu.memory_space<vmem>> -> memref<1x128x64xf32, #tpu.memory_space<vmem>>
    %dma_wait3A_79 = tpu.memref_squeeze %dma_wait3A_78 : memref<1x128x64xf32, #tpu.memory_space<vmem>> -> memref<128x64xf32, #tpu.memory_space<vmem>>
    tpu.wait_dma2 semaphore(%arg8 : memref<!tpu.dma_semaphore, #tpu.memory_space<semaphore_mem>>) src(%dma_wait3A_79 : memref<128x64xf32, #tpu.memory_space<vmem>>) dst(%dma_wait3A_75 : memref<128x64xf32, #tpu.memory_space<hbm>>)
    %dma_wait3A_80 = arith.constant 0 : i32
    %dma_wait3A_81 = arith.constant 0 : i32
    %dma_wait3A_82 = arith.constant 0 : i32
    %dma_wait3A_83 = tpu.memref_slice %arg6[%dma_wait3A_80, %dma_wait3A_81, %dma_wait3A_82] : memref<8x128x64xf32, #tpu.memory_space<vmem>> -> memref<1x128x64xf32, #tpu.memory_space<vmem>>
    %dma_wait3A_84 = tpu.memref_squeeze %dma_wait3A_83 : memref<1x128x64xf32, #tpu.memory_space<vmem>> -> memref<128x64xf32, #tpu.memory_space<vmem>>
    %dma_wait3A_85 = arith.constant 0 : i32
    %dma_wait3A_86 = tpu.memref_slice %arg4[%mul3A_2, %dma_wait3A_85] : memref<819200x64xf32, #tpu.memory_space<hbm>> -> memref<128x64xf32, #tpu.memory_space<hbm>>
    %dma_wait3A_87 = arith.constant 0 : i32
    %dma_wait3A_88 = tpu.memref_slice %arg4[%mul3A_2, %dma_wait3A_87] : memref<819200x64xf32, #tpu.memory_space<hbm>> -> memref<128x64xf32, #tpu.memory_space<hbm>>
    %dma_wait3A_89 = arith.constant 0 : i32
    %dma_wait3A_90 = arith.constant 0 : i32
    %dma_wait3A_91 = tpu.memref_slice %arg6[%dma_wait3A_80, %dma_wait3A_89, %dma_wait3A_90] : memref<8x128x64xf32, #tpu.memory_space<vmem>> -> memref<1x128x64xf32, #tpu.memory_space<vmem>>
    %dma_wait3A_92 = tpu.memref_squeeze %dma_wait3A_91 : memref<1x128x64xf32, #tpu.memory_space<vmem>> -> memref<128x64xf32, #tpu.memory_space<vmem>>
    tpu.wait_dma2 semaphore(%arg8 : memref<!tpu.dma_semaphore, #tpu.memory_space<semaphore_mem>>) src(%dma_wait3A_92 : memref<128x64xf32, #tpu.memory_space<vmem>>) dst(%dma_wait3A_88 : memref<128x64xf32, #tpu.memory_space<hbm>>)
    %dma_wait3A_93 = arith.constant 0 : i32
    %dma_wait3A_94 = arith.constant 0 : i32
    %dma_wait3A_95 = arith.constant 0 : i32
    %dma_wait3A_96 = tpu.memref_slice %arg6[%dma_wait3A_93, %dma_wait3A_94, %dma_wait3A_95] : memref<8x128x64xf32, #tpu.memory_space<vmem>> -> memref<1x128x64xf32, #tpu.memory_space<vmem>>
    %dma_wait3A_97 = tpu.memref_squeeze %dma_wait3A_96 : memref<1x128x64xf32, #tpu.memory_space<vmem>> -> memref<128x64xf32, #tpu.memory_space<vmem>>
    %dma_wait3A_98 = arith.constant 0 : i32
    %dma_wait3A_99 = tpu.memref_slice %arg4[%mul3A_2, %dma_wait3A_98] : memref<819200x64xf32, #tpu.memory_space<hbm>> -> memref<128x64xf32, #tpu.memory_space<hbm>>
    %dma_wait3A_100 = arith.constant 0 : i32
    %dma_wait3A_101 = tpu.memref_slice %arg4[%mul3A_2, %dma_wait3A_100] : memref<819200x64xf32, #tpu.memory_space<hbm>> -> memref<128x64xf32, #tpu.memory_space<hbm>>
    %dma_wait3A_102 = arith.constant 0 : i32
    %dma_wait3A_103 = arith.constant 0 : i32
    %dma_wait3A_104 = tpu.memref_slice %arg6[%dma_wait3A_93, %dma_wait3A_102, %dma_wait3A_103] : memref<8x128x64xf32, #tpu.memory_space<vmem>> -> memref<1x128x64xf32, #tpu.memory_space<vmem>>
    %dma_wait3A_105 = tpu.memref_squeeze %dma_wait3A_104 : memref<1x128x64xf32, #tpu.memory_space<vmem>> -> memref<128x64xf32, #tpu.memory_space<vmem>>
    tpu.wait_dma2 semaphore(%arg8 : memref<!tpu.dma_semaphore, #tpu.memory_space<semaphore_mem>>) src(%dma_wait3A_105 : memref<128x64xf32, #tpu.memory_space<vmem>>) dst(%dma_wait3A_101 : memref<128x64xf32, #tpu.memory_space<hbm>>)
    return
  }
}

</mosaic_0001>

<sc_bundles>
// kernel: kernel.3.cloned.1.call-start
scs
__scs_entry_jumppad:
0x0: {  	(pc) =	sbr.rel $0x88, $3  }
0x1: {  	(tag) =	ssettag $0x0;
	lr =	simm.s32 $0x1  }
0x2: {  	[smem:$0x3F9F] =	sst lr;
	_ =	strace $0xD0000000  }
0x3: {  	_ = 	snop  }
0x4: {  	_ = 	snop  }
0x5: {  	_ = 	snop  }
0x6: {  	_ = 	snop  }
0x7: {  	_ = 	snop  }
__scs_overlays_trampoline_lowered:
0x8: {  	[smem:$0x3FAE] =	sst s0  }
0x9: {  	[smem:$0x3FAF] =	sst s1  }
0xa: {  	[smem:$0x3FB0] =	sst s2  }
0xb: {  	[smem:$0x3FB1] =	sst s3  }
0xc: {  	[smem:$0x3FB2] =	sst s4  }
0xd: {  	[smem:$0x3FB3] =	sst s5  }
0xe: {  	[smem:$0x3FB4] =	sst s6  }
0xf: {  	[smem:$0x3FB5] =	sst s7  }
0x10: {  	[smem:$0x3FB6] =	sst s8  }
0x11: {  	[smem:$0x3FB7] =	sst s9;
	s0 =	simm.s32 @!p0 $0x0  }
0x12: {  	s1 =	sld [smem:$0x3F9D];
	s0 =	simm.s32 @p0 $0x1  }
0x13: {  	[smem:$0x3FB8] =	sst s0;
	s0 =	simm.s32 @!p1 $0x0  }
0x14: {  	s2 =	sld [smem:$0x3F9C];
	s0 =	simm.s32 @p1 $0x1  }
0x15: {  	[smem:$0x3FB9] =	sst s0;
	s0 =	simm.s32 @!p2 $0x0  }
0x16: {  	s3 =	sld [smem:$0x3FDB];
	s0 =	simm.s32 @p2 $0x1  }
0x17: {  	s4 =	simm.s32 $0x1BF5;
	[smem:$0x3FBB] =	sst s0  }
0x18: {  	s0 =	sld [smem:$0x3F9E];
	_ =	swait.ge [sflag:s4], $0x0  }
0x19: {  	s7 =	sld [smem:$0x3F9F]  }
0x1a: {  	s8 =	sadd.s32 $0xFFFFE003, lr  }
0x1b: {  	s9 =	sadd.s32 $0xFFFFFEF7, lr;
	s5 =	simm.s32 $0xFFFFFFFF;
	p2 =	slt.u32 s8, $0xFFFFF086  }
0x1c: {  	p1 =	slt.u32 s9, $0xF7A;
	s5 =	simm.s32 @!p2 $0x0  }
0x1d: {  	s5 =	simm.s32 @p1 $0x1;
	p0 =	seq.s32 s7, s2  }
0x1e: {  	s7 =	smul.u32 @!p0 $0xF7A, s2;
	p2 =	seq.s32 @!p0 s5, $0x0  }
0x1f: {  	s9 =	smul.u32 $0xF7A, s1;
	s8 =	simm.s32 @!p0 $0x1BF5;
	p2 =	por !p2, p0  }
0x20: {  	[sflag:s8] =	ssyncset.s32 @!p0 $0xFFFFF086;
	s6 =	sadd.s32 @!p0 s3, s7;
	s7 =	simm.s32 @!p0 $0x108  }
0x21: {  	s3 =	sadd.s32 s3, s9;
	s6 =	sadd.s32 @!p0 $0x88, s6;
	s7 =	simm.s32 @p2 $0x1082  }
0x22: {  	[simem:s7], [sflag:s8] =	dma.local @!p0 [hbm:s6], $0xF7A  }
0x23: {  	s9 =	sor.u32 $0xD0000000, s2;
	s6 =	simm.s32 $0x108;
	_ =	swait.ge @!p0 [sflag:s8], $0x0  }
0x24: {  	s3 =	sadd.s32 $0x88, s3;
	s6 =	simm.s32 @!p1 $0x1082;
	[sflag:s4] =	ssyncset.s32 $0xFFFFF086  }
0x25: {  	[simem:s6], [sflag:s4] =	dma.local [hbm:s3], $0xF7A  }
0x26: {  	[smem:$0x3F9F] =	sst s1;
	(tag) =	ssettag s2;
	_ =	strace s9  }
0x27: {  	s1 =	sld [smem:$0x3FAF]  }
0x28: {  	s2 =	sld [smem:$0x3FB0]  }
0x29: {  	s4 =	sld [smem:$0x3FB2]  }
0x2a: {  	p0 =	seq.s32 s5, $0x0;
	s5 =	sld [smem:$0x3FB3]  }
0x2b: {  	s6 =	sld [smem:$0x3FB4]  }
0x2c: {  	s7 =	sld [smem:$0x3FB5]  }
0x2d: {  	s3 =	simm.s32 $0x108;
	s8 =	sld [smem:$0x3FB6]  }
0x2e: {  	s3 =	simm.s32 @!p0 $0x1082;
	s9 =	sld [smem:$0x3FB7]  }
0x2f: {  	lr =	sadd.s32 s0, s3;
	s0 =	sld [smem:$0x3FAE]  }
0x30: {  	s3 =	sld [smem:$0x3FB1]  }
0x31: {  	[smem:$0x3FBA] =	sst s10  }
0x32: {  	s10 =	sld [smem:$0x3FB8];
	_ =	sdelay $0x3  }
0x33: {  	p0 =	seq.s32 s10, $0x1;
	s10 =	sld [smem:$0x3FBA];
	_ =	sdelay $0x3  }
0x34: {  	[smem:$0x3FBA] =	sst s10  }
0x35: {  	s10 =	sld [smem:$0x3FB9];
	_ =	sdelay $0x3  }
0x36: {  	p1 =	seq.s32 s10, $0x1;
	s10 =	sld [smem:$0x3FBA];
	_ =	sdelay $0x3  }
0x37: {  	[smem:$0x3FBA] =	sst s10  }
0x38: {  	s10 =	sld [smem:$0x3FBB]  }
0x39: {  	_ = 	snop;
	(pc) =	sbr.ind lr, $3  }
0x3a: {  	_ = 	snop  }
0x3b: {  	_ = 	snop  }
0x3c: {  	p2 =	seq.s32 s10, $0x1;
	s10 =	sld [smem:$0x3FBA]  }
0x3d: {  	_ =	shalt  }
0x3e: {  	_ =	shalt  }
0x3f: {  	_ =	shalt  }
0x40: {  	_ =	shalt  }
0x41: {  	_ =	shalt  }
0x42: {  	_ =	shalt  }
0x43: {  	_ =	shalt  }
0x44: {  	_ =	shalt  }
0x45: {  	_ =	shalt  }
0x46: {  	_ =	shalt  }
0x47: {  	_ =	shalt  }
0x48: {  	_ =	shalt  }
0x49: {  	_ =	shalt  }
0x4a: {  	_ =	shalt  }
0x4b: {  	_ =	shalt  }
0x4c: {  	_ =	shalt  }
0x4d: {  	_ =	shalt  }
0x4e: {  	_ =	shalt  }
0x4f: {  	_ =	shalt  }
0x50: {  	_ =	shalt  }
0x51: {  	_ =	shalt  }
0x52: {  	_ =	shalt  }
0x53: {  	_ =	shalt  }
0x54: {  	_ =	shalt  }
0x55: {  	_ =	shalt  }
0x56: {  	_ =	shalt  }
0x57: {  	_ =	shalt  }
0x58: {  	_ =	shalt  }
0x59: {  	_ =	shalt  }
0x5a: {  	_ =	shalt  }
0x5b: {  	_ =	shalt  }
0x5c: {  	_ =	shalt  }
0x5d: {  	_ =	shalt  }
0x5e: {  	_ =	shalt  }
0x5f: {  	_ =	shalt  }
0x60: {  	_ =	shalt  }
0x61: {  	_ =	shalt  }
0x62: {  	_ =	shalt  }
0x63: {  	_ =	shalt  }
0x64: {  	_ =	shalt  }
0x65: {  	_ =	shalt  }
0x66: {  	_ =	shalt  }
0x67: {  	_ =	shalt  }
0x68: {  	_ =	shalt  }
0x69: {  	_ =	shalt  }
0x6a: {  	_ =	shalt  }
0x6b: {  	_ =	shalt  }
0x6c: {  	_ =	shalt  }
0x6d: {  	_ =	shalt  }
0x6e: {  	_ =	shalt  }
0x6f: {  	_ =	shalt  }
0x70: {  	_ =	shalt  }
0x71: {  	_ =	shalt  }
0x72: {  	_ =	shalt  }
0x73: {  	_ =	shalt  }
0x74: {  	_ =	shalt  }
0x75: {  	_ =	shalt  }
0x76: {  	_ =	shalt  }
0x77: {  	_ =	shalt  }
0x78: {  	_ =	shalt  }
0x79: {  	_ =	shalt  }
0x7a: {  	_ =	shalt  }
0x7b: {  	_ =	shalt  }
0x7c: {  	_ =	shalt  }
0x7d: {  	_ =	shalt  }
0x7e: {  	_ =	shalt  }
0x7f: {  	_ =	shalt  }
0x80: {  	_ =	shalt  }
0x81: {  	_ =	shalt  }
0x82: {  	_ =	shalt  }
0x83: {  	_ =	shalt  }
0x84: {  	_ =	shalt  }
0x85: {  	_ =	shalt  }
0x86: {  	_ =	shalt  }
0x87: {  	_ =	shalt  }
.Lfunc_end0:
.L_simem_size_0:
called_computation.1_lowered:
.L_overlay_start_0:
0x88: {  	s2 =	sld [smem:$0x3FD9]  }
0x89: {  	s3 =	sld [smem:$0x3FFE];
	_ =	sdelay $0x1  }
0x8a: {  	s1 =	srdreg.scid  }
0x8b: {  	s0 =	sand.u32 $0x1, s1  }
0x8c: {  	s17 =	sshll.u32 s0, $0xA;
	s2 =	sadd.s32 s3, s2  }
0x8d: {  	s2 =	sadd.s32 s2, s17  }
0x8e: {  	[smem:$0x3FC6] =	sst s2  }
0x8f: {  	_ = 	snop  }
0x90: {  	s2 =	sld [smem:$0x3FD0];
	(tm) =	ssettm $0x1  }
0x91: {  	s18 =	sld [smem:$0x3FFB];
	_ =	sdelay $0x3  }
0x92: {  	_ =	strace s18  }
0x93: {  	s3 =	sld [smem:$0x3FFC];
	_ =	sdelay $0x3  }
0x94: {  	_ =	strace s3  }
0x95: {  	s3 =	sld [smem:$0x3FFD];
	_ =	sdelay $0x3  }
0x96: {  	_ =	strace s3  }
0x97: {  	_ =	strace $0x8FFFFFFF  }
0x98: {  	s19 =	sld [smem:$0x3FDB];
	_ =	sdelay $0x1  }
0x99: {  	s4 =	simm.s32 $_scs_section_size  }
0x9a: {  	s5 =	simm.s32 $_size__tile_overlayer_lowered;
	s6 =	simm.s32 $_tile_overlayer_lowered  }
0x9b: {  	s22 =	simm.s32 $0x1BFF;
	s21 =	sshll.u32 s6, $0x1;
	s3 =	sadd.s32 s4, s19  }
0x9c: {  	s7 =	simm.s32 $0x0;
	s20 =	sshll.u32 s5, $0x1;
	s5 =	sadd.s32 s21, s3  }
0x9d: {  	[timem:s7], [sflag:s22] =	dma.local [hbm:s5], s20  }
0x9e: {  	_ =	swait.ge [sflag:s22], s20  }
0x9f: {  	s4 =	ssub.s32 $0x0, s20;
	[sflag:s22] =	ssyncset.done $0x0  }
0xa0: {  	[sflag:s22] =	ssyncadd.s32 s4;
	_ =	sdelay $0x1  }
0xa1: {  	s23 =	simm.s32 $0x1B8B  }
0xa2: {  	_ =	swait.ge [sflag:s23], $0x1  }
0xa3: {  	[sflag:s23] =	ssyncset.done $0x0  }
0xa4: {  	s25 =	simm.s32 $0x1B8E;
	s24 =	sld [smem:$0x3FFE];
	[sflag:s23] =	ssyncadd.s32 $0xFFFFFFFF  }
0xa5: {  	s26 =	simm.s32 $execute0_lowered;
	[smem:$0x3FD2] =	sst s25  }
0xa6: {  	s5 =	sshll.u32 s26, $0x1;
	_ =	strace $0x80000046;
	[dreg:$0x1] =	wrdreg $0xFFFFFFFF  }
0xa7: {  	s28 =	simm.s32 $_size_execute0_lowered;
	s3 =	sadd.s32 s3, s5;
	[dreg:$0x0] =	wrdreg $0x0  }
0xa8: {  	s5 =	sshll.u32 s28, $0x1;
	[dreg:$0x2] =	wrdreg s3  }
0xa9: {  	[dreg:$0x3] =	wrdreg s5  }
0xaa: {  	[dreg:$0x4] =	wrdreg $0xC0  }
0xab: {  	_ =	task [dreg:s7], $0x5FFFF  }
0xac: {  	[dreg:$0x1] =	wrdreg $0xFFFFFFFF  }
0xad: {  	[dreg:$0x0] =	wrdreg $0x60  }
0xae: {  	[dreg:$0x2] =	wrdreg s24  }
0xaf: {  	[dreg:$0x3] =	wrdreg s2  }
0xb0: {  	[dreg:$0x4] =	wrdreg $0x9  }
0xb1: {  	_ =	task.clear_ibuf [dreg:s7], $0x5FFFF;
	_ =	strace $0x90000046  }
0xb2: {  	s29 =	simm.s32 $0x9;
	_ =	strace $0x80000048  }
0xb3: {  	_ =	swait.ge [sflag:s29], $0x1  }
0xb4: {  	[sflag:s29] =	ssyncadd.s32 $0xFFFFFFFF  }
0xb5: {  	_ =	strace $0x90000048  }
0xb6: {  	_ =	sfence  }
0xb7: {  	s30 =	sld [smem:$0x0];
	_ =	sdelay $0x2  }
0xb8: {  	s31 =	sshll.u32 s1, $0xD;
	s1 =	sshrl.u32 s1, $0x2  }
0xb9: {  	s3 =	sand.u32 $0x4000, s31;
	s1 =	sadd.s32 s1, s30  }
0xba: {  	s0 =	sor.u32 s3, s0;
	s1 =	sshll.u32 s1, $0x11  }
0xbb: {  	s0 =	sor.u32 s1, s0  }
0xbc: {  	s0 =	sadd.s32 $0x8F2B, s0  }
0xbd: {  	[sflag:s0] =	ssyncadd.remote.s32 $0x1  }
0xbe: {  	_ =	sfence.sel $0xFFFF  }
0xbf: {  	[dreg:$0x0] =	wrdreg $0xFFFFFFFF;
	(pc) =	sbr.abs _section_cstart, $3  }
0xc0: {  	[dreg:$0x1] =	wrdreg $0xFFFFFFFF  }
0xc1: {  	_ =	task.clear_ibuf [dreg:s7], $0x2FFFF;
	_ =	strace $0x9FFFFFFF  }
0xc2: {  	(tm) =	ssettm $0x7FFFFFFF  }
0xc3: {  	_ =	shalt  }
tec
execute0_lowered:
.L_overlay_start_1:
0x0: {  	(tag) =	ssettag $0x1  }
0x1: {  	s0 =	srdreg.scid  }
0x2: {  	s2 =	stileid.u32;
	s1 =	rddreg [dreg:$0x0]  }
0x3: {  	s15 =	simm.s32 $0x3;
	s16 =	simm.s32 $0x80;
	s17 =	simm.s32 $0x6400  }
0x4: {  	s18 =	simm.s32 $0x8400;
	s20 =	simm.s32 $0xA400;
	s22 =	simm.s32 $0xC400  }
0x5: {  	s23 =	simm.s32 $0x1;
	s24 =	simm.s32 $0xE400;
	s25 =	simm.s32 $0x10400  }
0x6: {  	s26 =	simm.s32 $0x12400;
	s28 =	simm.s32 $0x14400;
	s6 =	smul.u32 $0x320000, s2  }
0x7: {  	s0 =	sand.u32 $0x1, s0;
	s3 =	sshll.u32 s2, $0x1;
	s7 =	smul.u32 $0xC800, s2  }
0x8: {  	s29 =	simm.s32 $0x2;
	s4 =	sor.u32 s0, s3;
	s9 =	smul.u32 $0x6400, s0  }
0x9: {  	s3 =	simm.s32 $0x0;
	s8 =	ssub.s32 $0x2, s0;
	s0 =	smul.u32 $0x190000, s0  }
0xa: {  	s30 =	simm.s32 $0x0;
	s5 =	smul.u32 $0x6400, s4;
	[smem:$0x7FF] =	sst s3  }
0xb: {  	s4 =	sadd.s32 $0x19800, s1;
	s10 =	sshrl.u32 s8, $0x1;
	_ =	strace $0x80000047  }
0xc: {  	s8 =	ssub.s32 s8, s10;
	s7 =	sadd.s32 s9, s7;
	s0 =	sadd.s32 s0, s6  }
.Ltmp0:
0xd: {  	s5 =	sshrl.u32 s5, $0x3;
	s31 =	sshll.u32 s7, $0x3;
	(pc) =	sbr.rel .LBB2_1-.Ltmp0, $4  }
0xe: {  	s6 =	smax.u32 s8, $0x1;
	s7 =	sshrl.u32 s0, $0x3;
	s1 =	sadd.s32 s5, s1  }
0xf: {  	s8 =	sor.u32 $0xC00, s31;
	s9 =	sor.u32 $0x800, s31;
	s10 =	sor.u32 $0x400, s31  }
0x10: {  	s11 =	sor.u32 $0x1C00, s31;
	s12 =	sor.u32 $0x1800, s31;
	s1 =	sadd.s32 $0x800, s1  }
0x11: {  	s13 =	sor.u32 $0x1400, s31;
	s14 =	sor.u32 $0x1000, s31;
	[dreg:$0x3] =	wrdreg s1  }
.LBB2_4:
0x12: {  	_ =	swait.ge [sflag:s29], $0x2000  }
0x13: {  	[sflag:s29] =	ssyncset.done $0x0  }
0x14: {  	[sflag:s29] =	ssyncadd.s32 $0xFFFFE000  }
0x15: {  	_ =	swait.ge [sflag:s29], $0x2000  }
0x16: {  	[sflag:s29] =	ssyncset.done $0x0  }
0x17: {  	s30 =	sadd.s32 $0x1, s30;
	[sflag:s29] =	ssyncadd.s32 $0xFFFFE000  }
0x18: {  	p0 =	sne.s32 s30, s6;
	_ =	swait.ge [sflag:s29], $0x2000  }
.Ltmp1:
0x19: {  	[sflag:s29] =	ssyncset.done $0x0;
	(pc) =	sbr.rel @!p0 .LBB2_5-.Ltmp1, $4  }
0x1a: {  	[sflag:s29] =	ssyncadd.s32 $0xFFFFE000  }
0x1b: {  	_ =	swait.ge [sflag:s29], $0x2000  }
0x1c: {  	[sflag:s29] =	ssyncset.done $0x0  }
0x1d: {  	[sflag:s29] =	ssyncadd.s32 $0xFFFFE000  }
.LBB2_1:
0x1e: {  	s0 =	rddreg [dreg:$0x3]  }
0x1f: {  	[tilespmem:s3], [sflag:$0x3] =	stream.linear.gather [hbm4b:s0+s3], $0x6400, $0x38;
	[tilespmem:$0x16400] =	vst v63  }
0x20: {  	_ =	swait.ge [sflag:s15], $0x6400  }
0x21: {  	[sflag:s15] =	ssyncset.done $0x0  }
0x22: {  	[sflag:s15] =	ssyncadd.s32 $0xFFFF9C00  }
0x23: {  	[tilespmem:s17], [sflag:$0x1] =	stream.indirect.gather [hbm4b:s4+s16], $0x40, s3, s16, $0xb8;
	[tilespmem:$0x16400] =	vst v63  }
0x24: {  	_ = 	snop  }
0x25: {  	[tilespmem:s18], [sflag:$0x1] =	stream.indirect.gather [hbm4b:s4+s16], $0x40, s16, s16, $0xb8;
	[tilespmem:$0x16400] =	vst v63  }
0x26: {  	s19 =	simm.s32 $0x100  }
0x27: {  	[tilespmem:s20], [sflag:$0x1] =	stream.indirect.gather [hbm4b:s4+s16], $0x40, s19, s16, $0xb8;
	[tilespmem:$0x16400] =	vst v63  }
0x28: {  	s21 =	simm.s32 $0x180;
	s1 =	simm.s32 $0x0;
	s31 =	rddreg [dreg:$0x1]  }
0x29: {  	[tilespmem:s22], [sflag:$0x1] =	stream.indirect.gather [hbm4b:s4+s16], $0x40, s21, s16, $0xb8;
	[tilespmem:$0x16400] =	vst v63  }
.LBB2_2:
0x2a: {  	_ =	swait.ge [sflag:s23], $0x2000  }
0x2b: {  	p0 =	seq.s32 s1, $0x0;
	[sflag:s23] =	ssyncset.done $0x0  }
0x2c: {  	s0 =	sadd.s32 s31, s7;
	s2 =	simm.s32 @!p0 $0x2;
	[sflag:s23] =	ssyncadd.s32 $0xFFFFE000  }
0x2d: {  	[hbm4b:s0+s3] =	stream.linear.scatter [tilespmem:s17], [sflag:$0x2], $0x2000, $0x38;
	[tilespmem:$0x16400] =	vst v63  }
0x2e: {  	_ =	swait.ge @!p0 [sflag:s2], $0x2000  }
0x2f: {  	s0 =	sshra.s32 s1, $0x2;
	[sflag:s2] =	ssyncset.done @!p0 $0x0  }
0x30: {  	s19 =	sadd.s32 $0x200, s0;
	[sflag:s2] =	ssyncadd.s32 @!p0 $0xFFFFE000  }
0x31: {  	[tilespmem:s24], [sflag:$0x1] =	stream.indirect.gather [hbm4b:s4+s16], $0x40, s19, s16, $0xb8;
	[tilespmem:$0x16400] =	vst v63  }
0x32: {  	_ =	swait.ge [sflag:s23], $0x2000  }
0x33: {  	[sflag:s23] =	ssyncset.done $0x0  }
0x34: {  	s5 =	sadd.s32 s31, s10;
	[sflag:s23] =	ssyncadd.s32 $0xFFFFE000  }
0x35: {  	[hbm4b:s5+s3] =	stream.linear.scatter [tilespmem:s18], [sflag:$0x2], $0x2000, $0x38;
	[tilespmem:$0x16400] =	vst v63  }
0x36: {  	_ =	swait.ge @!p0 [sflag:s2], $0x2000  }
0x37: {  	[sflag:s2] =	ssyncset.done @!p0 $0x0  }
0x38: {  	s21 =	sadd.s32 $0x280, s0;
	[sflag:s2] =	ssyncadd.s32 @!p0 $0xFFFFE000  }
0x39: {  	[tilespmem:s25], [sflag:$0x1] =	stream.indirect.gather [hbm4b:s4+s16], $0x40, s21, s16, $0xb8;
	[tilespmem:$0x16400] =	vst v63  }
0x3a: {  	_ =	swait.ge [sflag:s23], $0x2000  }
0x3b: {  	[sflag:s23] =	ssyncset.done $0x0  }
0x3c: {  	s5 =	sadd.s32 s31, s9;
	[sflag:s23] =	ssyncadd.s32 $0xFFFFE000  }
0x3d: {  	[hbm4b:s5+s3] =	stream.linear.scatter [tilespmem:s20], [sflag:$0x2], $0x2000, $0x38;
	[tilespmem:$0x16400] =	vst v63  }
0x3e: {  	_ =	swait.ge @!p0 [sflag:s2], $0x2000  }
0x3f: {  	[sflag:s2] =	ssyncset.done @!p0 $0x0  }
0x40: {  	s21 =	sadd.s32 $0x300, s0;
	[sflag:s2] =	ssyncadd.s32 @!p0 $0xFFFFE000  }
0x41: {  	[tilespmem:s26], [sflag:$0x1] =	stream.indirect.gather [hbm4b:s4+s16], $0x40, s21, s16, $0xb8;
	[tilespmem:$0x16400] =	vst v63  }
0x42: {  	_ =	swait.ge [sflag:s23], $0x2000  }
0x43: {  	[sflag:s23] =	ssyncset.done $0x0  }
0x44: {  	s5 =	sadd.s32 s31, s8;
	[sflag:s23] =	ssyncadd.s32 $0xFFFFE000  }
0x45: {  	[hbm4b:s5+s3] =	stream.linear.scatter [tilespmem:s22], [sflag:$0x2], $0x2000, $0x38;
	[tilespmem:$0x16400] =	vst v63  }
0x46: {  	_ =	swait.ge @!p0 [sflag:s2], $0x2000  }
0x47: {  	[sflag:s2] =	ssyncset.done @!p0 $0x0  }
0x48: {  	s21 =	sadd.s32 $0x380, s0;
	[sflag:s2] =	ssyncadd.s32 @!p0 $0xFFFFE000  }
0x49: {  	[tilespmem:s28], [sflag:$0x1] =	stream.indirect.gather [hbm4b:s4+s16], $0x40, s21, s16, $0xb8;
	[tilespmem:$0x16400] =	vst v63  }
0x4a: {  	_ =	swait.ge [sflag:s23], $0x2000  }
0x4b: {  	[sflag:s23] =	ssyncset.done $0x0  }
0x4c: {  	s5 =	sadd.s32 s31, s14;
	[sflag:s23] =	ssyncadd.s32 $0xFFFFE000  }
0x4d: {  	[hbm4b:s5+s3] =	stream.linear.scatter [tilespmem:s24], [sflag:$0x2], $0x2000, $0x38;
	[tilespmem:$0x16400] =	vst v63  }
0x4e: {  	p0 =	seq.s32 s1, $0x18000;
	_ =	swait.ge [sflag:s29], $0x2000  }
0x4f: {  	s2 =	sshra.s32 @!p0 s1, $0x2;
	s21 =	simm.s32 @!p0 $0x80;
	[sflag:s29] =	ssyncset.done $0x0  }
0x50: {  	s19 =	sadd.s32 @!p0 $0x400, s2;
	s5 =	simm.s32 @!p0 $0x6400;
	[sflag:s29] =	ssyncadd.s32 $0xFFFFE000  }
0x51: {  	[tilespmem:s5], [sflag:$0x1] =	stream.indirect.gather @!p0 [hbm4b:s4+s21], $0x40, s19, s21, $0xb8;
	[tilespmem:$0x16400] =	vst v63  }
0x52: {  	_ =	swait.ge [sflag:s23], $0x2000  }
0x53: {  	[sflag:s23] =	ssyncset.done $0x0  }
0x54: {  	s19 =	sadd.s32 s31, s13;
	[sflag:s23] =	ssyncadd.s32 $0xFFFFE000  }
0x55: {  	[hbm4b:s19+s3] =	stream.linear.scatter [tilespmem:s25], [sflag:$0x2], $0x2000, $0x38;
	[tilespmem:$0x16400] =	vst v63  }
0x56: {  	_ =	swait.ge [sflag:s29], $0x2000  }
0x57: {  	[sflag:s29] =	ssyncset.done $0x0  }
0x58: {  	s5 =	sadd.s32 @!p0 $0x480, s2;
	s19 =	simm.s32 @!p0 $0x8400;
	[sflag:s29] =	ssyncadd.s32 $0xFFFFE000  }
0x59: {  	[tilespmem:s19], [sflag:$0x1] =	stream.indirect.gather @!p0 [hbm4b:s4+s21], $0x40, s5, s21, $0xb8;
	[tilespmem:$0x16400] =	vst v63  }
0x5a: {  	_ =	swait.ge [sflag:s23], $0x2000  }
0x5b: {  	[sflag:s23] =	ssyncset.done $0x0  }
0x5c: {  	s19 =	sadd.s32 s31, s12;
	[sflag:s23] =	ssyncadd.s32 $0xFFFFE000  }
0x5d: {  	[hbm4b:s19+s3] =	stream.linear.scatter [tilespmem:s26], [sflag:$0x2], $0x2000, $0x38;
	[tilespmem:$0x16400] =	vst v63  }
0x5e: {  	_ =	swait.ge [sflag:s29], $0x2000  }
0x5f: {  	[sflag:s29] =	ssyncset.done $0x0  }
0x60: {  	s2 =	sadd.s32 @!p0 $0x500, s2;
	s5 =	simm.s32 @!p0 $0xA400;
	[sflag:s29] =	ssyncadd.s32 $0xFFFFE000  }
0x61: {  	[tilespmem:s5], [sflag:$0x1] =	stream.indirect.gather @!p0 [hbm4b:s4+s21], $0x40, s2, s21, $0xb8;
	[tilespmem:$0x16400] =	vst v63  }
0x62: {  	_ =	swait.ge [sflag:s23], $0x2000  }
0x63: {  	[sflag:s23] =	ssyncset.done $0x0  }
.Ltmp2:
0x64: {  	s21 =	sadd.s32 s31, s11;
	[sflag:s23] =	ssyncadd.s32 $0xFFFFE000;
	(pc) =	sbr.rel @p0 .LBB2_4-.Ltmp2, $4  }
0x65: {  	[hbm4b:s21+s3] =	stream.linear.scatter [tilespmem:s28], [sflag:$0x2], $0x2000, $0x38;
	[tilespmem:$0x16400] =	vst v63  }
0x66: {  	_ =	swait.ge [sflag:s29], $0x2000  }
0x67: {  	[sflag:s29] =	ssyncset.done $0x0  }
0x68: {  	[sflag:s29] =	ssyncadd.s32 $0xFFFFE000  }
.Ltmp3:
0x69: {  	(pc) =	sbr.rel .LBB2_2-.Ltmp3, $3  }
0x6a: {  	_ =	sdelay $0x1  }
0x6b: {  	s0 =	sadd.s32 $0x580, s0;
	s1 =	sadd.s32 $0x1000, s1;
	s31 =	sadd.s32 $0x2000, s31  }
0x6c: {  	[tilespmem:s22], [sflag:$0x1] =	stream.indirect.gather [hbm4b:s4+s16], $0x40, s0, s16, $0xb8;
	[tilespmem:$0x16400] =	vst v63  }
.LBB2_5:
0x6d: {  	_ =	sfence.sel $0x180000  }
0x6e: {  	[bflag:$0x0] =	sbarrier.arrive $0xFFFF  }
0x6f: {  	_ =	strace $0x90000047  }
0x70: {  	s0 =	stileid.u32;
	[bflag:$0x2] =	sbarrier.arrive $0xFFFF  }
0x71: {  	p0 =	sne.s32 s0, $0x0;
	s0 =	rddreg [dreg:$0x2]  }
0x72: {  	s0 =	sadd.s32 @!p0 $0x100000, s0  }
0x73: {  	[sflag:s0] =	ssyncadd.tile.s32 @!p0 $0x1;
	_ =	shalt  }
.Lfunc_end2:
_tile_overlayer_lowered:
.L_overlay_start_2:
0x74: {  	(tag) =	ssettag $0x2  }
0x75: {  	s0 =	rddreg [dreg:$0x0];
	s2 =	stileid.u32  }
0x76: {  	s1 =	rddreg [dreg:$0x1];
	p0 =	sne.s32 s2, $0x0  }
0x77: {  	s3 =	rddreg [dreg:$0x2];
	[bflag:$0x3] =	sbarrier.arrive $0xFFFF;
	s2 =	simm.s32 @!p0 $0x1C03  }
0x78: {  	[timem:s3], [sflag:s2] =	dma.local @!p0 [hbm:s0], s1  }
0x79: {  	s0 =	simm.s32 @!p0 $0x3  }
0x7a: {  	_ =	swait.ge @!p0 [sflag:s0], s1  }
0x7b: {  	s1 =	ssub.s32 @!p0 $0x0, s1;
	[sflag:s0] =	ssyncset.done @!p0 $0x0  }
0x7c: {  	[sflag:s0] =	ssyncadd.s32 @!p0 s1  }
0x7d: {  	[bflag:$0x3] =	sbarrier.arrive $0xFFFF  }
0x7e: {  	_ =	shalt  }

// kernel: sparse-core-data-format-call.cloned.1.call-start
scs
called_computation_lowered:
.L_overlay_start_0:
0x0: {  	s2 =	sld [smem:$0x3FD9]  }
0x1: {  	s3 =	sld [smem:$0x3FFE];
	_ =	sdelay $0x1  }
0x2: {  	s1 =	srdreg.scid  }
0x3: {  	s0 =	sand.u32 $0x1, s1  }
0x4: {  	s18 =	sshll.u32 s0, $0xA;
	s2 =	sadd.s32 s3, s2  }
0x5: {  	s2 =	sadd.s32 s2, s18  }
0x6: {  	[smem:$0x3FC6] =	sst s2  }
0x7: {  	_ = 	snop  }
0x8: {  	s2 =	sld [smem:$0x3FD0];
	(tm) =	ssettm $0x1  }
0x9: {  	s19 =	sld [smem:$0x3FFB];
	_ =	sdelay $0x3  }
0xa: {  	_ =	strace s19  }
0xb: {  	s3 =	sld [smem:$0x3FFC];
	_ =	sdelay $0x3  }
0xc: {  	_ =	strace s3  }
0xd: {  	s3 =	sld [smem:$0x3FFD];
	_ =	sdelay $0x3  }
0xe: {  	_ =	strace s3  }
0xf: {  	_ =	strace $0x8FFFFFFF  }
0x10: {  	s20 =	sld [smem:$0x3FDB];
	_ =	sdelay $0x1  }
0x11: {  	s4 =	simm.s32 $_scs_section_size  }
0x12: {  	s5 =	simm.s32 $_size__tile_overlayer_lowered;
	s6 =	simm.s32 $_tile_overlayer_lowered  }
0x13: {  	s23 =	simm.s32 $0x1BFF;
	s22 =	sshll.u32 s6, $0x1;
	s3 =	sadd.s32 s4, s20  }
0x14: {  	s7 =	simm.s32 $0x0;
	s21 =	sshll.u32 s5, $0x1;
	s5 =	sadd.s32 s22, s3  }
0x15: {  	[timem:s7], [sflag:s23] =	dma.local [hbm:s5], s21  }
0x16: {  	_ =	swait.ge [sflag:s23], s21  }
0x17: {  	s4 =	ssub.s32 $0x0, s21;
	[sflag:s23] =	ssyncset.done $0x0  }
0x18: {  	[sflag:s23] =	ssyncadd.s32 s4;
	_ =	sdelay $0x1  }
0x19: {  	s24 =	simm.s32 $0x1B8B  }
0x1a: {  	_ =	swait.ge [sflag:s24], $0x1  }
0x1b: {  	[sflag:s24] =	ssyncset.done $0x0  }
0x1c: {  	s26 =	simm.s32 $0x1B8E;
	s25 =	sld [smem:$0x3FFE];
	[sflag:s24] =	ssyncadd.s32 $0xFFFFFFFF  }
0x1d: {  	s27 =	simm.s32 $execute0_lowered;
	[smem:$0x3FD2] =	sst s26  }
0x1e: {  	s5 =	sshll.u32 s27, $0x1;
	_ =	strace $0x80000049;
	[dreg:$0x1] =	wrdreg $0xFFFFFFFF  }
0x1f: {  	s28 =	simm.s32 $_size_execute0_lowered;
	s3 =	sadd.s32 s3, s5;
	[dreg:$0x0] =	wrdreg $0x0  }
0x20: {  	s5 =	sshll.u32 s28, $0x1;
	[dreg:$0x2] =	wrdreg s3  }
0x21: {  	[dreg:$0x3] =	wrdreg s5  }
0x22: {  	[dreg:$0x4] =	wrdreg $0xC0  }
0x23: {  	_ =	task [dreg:s7], $0x5FFFF  }
0x24: {  	[dreg:$0x1] =	wrdreg $0xFFFFFFFF  }
0x25: {  	[dreg:$0x0] =	wrdreg $0x60  }
0x26: {  	[dreg:$0x2] =	wrdreg s25  }
0x27: {  	[dreg:$0x3] =	wrdreg s2  }
0x28: {  	[dreg:$0x4] =	wrdreg $0x9  }
0x29: {  	_ =	task.clear_ibuf [dreg:s7], $0x5FFFF;
	_ =	strace $0x90000049  }
0x2a: {  	s29 =	simm.s32 $0x9;
	_ =	strace $0x8000004B  }
0x2b: {  	_ =	swait.ge [sflag:s29], $0x1  }
0x2c: {  	[sflag:s29] =	ssyncadd.s32 $0xFFFFFFFF  }
0x2d: {  	_ =	strace $0x9000004B  }
0x2e: {  	_ =	sfence  }
0x2f: {  	s30 =	sld [smem:$0x0];
	_ =	sdelay $0x2  }
0x30: {  	s31 =	sshll.u32 s1, $0xD;
	s1 =	sshrl.u32 s1, $0x2  }
0x31: {  	s3 =	sand.u32 $0x4000, s31;
	s1 =	sadd.s32 s1, s30  }
0x32: {  	s0 =	sor.u32 s3, s0;
	s1 =	sshll.u32 s1, $0x11  }
0x33: {  	s0 =	sor.u32 s1, s0  }
0x34: {  	s0 =	sadd.s32 $0x8F2B, s0  }
0x35: {  	[sflag:s0] =	ssyncadd.remote.s32 $0x1  }
0x36: {  	_ =	sfence.sel $0xFFFF  }
0x37: {  	[dreg:$0x0] =	wrdreg $0xFFFFFFFF;
	(pc) =	sbr.abs _section_cstart, $3  }
0x38: {  	[dreg:$0x1] =	wrdreg $0xFFFFFFFF  }
0x39: {  	_ =	task.clear_ibuf [dreg:s7], $0x2FFFF;
	_ =	strace $0x9FFFFFFF  }
0x3a: {  	(tm) =	ssettm $0x7FFFFFFF  }
0x3b: {  	_ =	shalt  }
tec
execute0_lowered:
.L_overlay_start_1:
0x0: {  	(tag) =	ssettag $0x1  }
0x1: {  	s0 =	srdreg.scid  }
0x2: {  	s1 =	sshll.u32 s0, $0x4  }
0x3: {  	s0 =	stileid.u32;
	s1 =	sand.u32 $0x10, s1  }
0x4: {  	s1 =	sor.u32 s0, s1  }
0x5: {  	s6 =	rddreg [dreg:$0x0];
	s4 =	simm.s32 $0x1;
	s2 =	sshll.u32 s1, $0x7  }
0x6: {  	s7 =	simm.s32 $0x2;
	s12 =	simm.s32 $0x0;
	s1 =	ssub.s32 $0x1000, s2  }
0x7: {  	s8 =	simm.s32 $0x8000;
	s13 =	simm.s32 $0x0;
	s3 =	sand.u32 $0xF80, s1  }
0x8: {  	s9 =	simm.s32 $0x0;
	s5 =	sshrl.u32 s1, $0xC;
	p0 =	sne.s32 s3, $0x0  }
.Ltmp0:
0x9: {  	s1 =	rddreg [dreg:$0x2];
	s4 =	simm.s32 @!p0 $0x0;
	(pc) =	sbr.rel .LBB1_1-.Ltmp0, $4  }
0xa: {  	s11 =	simm.s32 $0x0;
	s3 =	rddreg [dreg:$0x1];
	s5 =	sadd.s32 s4, s5  }
0xb: {  	_ =	strace $0x8000004A;
	s4 =	simm.s32 $0x1;
	s5 =	smul.u32 $0xC8, s5  }
0xc: {  	s6 =	sadd.s32 $0x800, s6;
	s10 =	smov.u32 s2;
	[sflag:s4] =	ssyncpa.u1 $0x0  }
0xd: {  	p0 =	por $0x0, $0x0;
	[sflag:s7] =	ssyncpa.u1 $0x0;
	s7 =	sor.u32 $0x1, s5  }
.LBB1_4:
0xe: {  	s16 =	sshll.u32 s13, $0x3;
	s17 =	sand.u32 $0x78, s13  }
0xf: {  	s30 =	sand.u32 $0x7E00, s13;
	s12 =	sshll.u32 s12, $0xF;
	s16 =	sand.u32 $0xC00, s16  }
0x10: {  	[tilespmem:s15+$0x810 ss:$0x81] =	vst.msk $0xffff, v2;
	s31 =	sand.u32 $0x7, s13;
	s16 =	sor.u32 s17, s16;
	s17 =	sadd.s32 s3, s30  }
0x11: {  	[tilespmem:s15+$0x1020 ss:$0x81] =	vst.msk $0xffff, v0;
	s13 =	sshll.u32 s31, $0x12;
	s12 =	sadd.s32 s12, s17;
	s16 =	sshrl.u32 s16, $0x3  }
0x12: {  	[tilespmem:s15+$0x0 ss:$0x81] =	vst.msk $0xffff, v1;
	s13 =	sor.u32 $0x400, s13;
	s12 =	sadd.s32 s16, s12  }
0x13: {  	[hbm4b:s12+s13] =	stream.strided.scatter [tilespmem:s14], [sflag:$0x2], $0x2000, s8, s13, $0x20;
	[tilespmem:$0x8080] =	vst v63  }
.LBB1_5:
0x14: {  	s14 =	sadd.s32 $0x1, s9  }
0x15: {  	s12 =	sadd.s32 $0x1000, s10;
	s16 =	smov.u32 s10;
	p2 =	sgt.s32 s14, $0xC7  }
0x16: {  	s16 =	smov.u32 @p2 s12  }
0x17: {  	s14 =	simm.s32 @p2 $0x0;
	p2 =	sgt.s32 s16, $0xFFF  }
0x18: {  	s16 =	smov.u32 @p2 s2;
	p2 =	sne.s32 s11, s7  }
.Ltmp1:
0x19: {  	p1 =	slt.u32 s11, $0x2;
	(pc) =	sbr.rel @!p2 .LBB1_6-.Ltmp1, $4  }
0x1a: {  	s15 =	simm.s32 @!p1 $0x2  }
0x1b: {  	s13 =	smov.u32 s10;
	p0 =	por !p0, !p0;
	_ =	swait.ge @!p1 [sflag:s15], $0x2000  }
0x1c: {  	s12 =	smov.u32 s9;
	[sflag:s15] =	ssyncset.done @!p1 $0x0;
	s9 =	smov.u32 s14  }
0x1d: {  	s11 =	sadd.s32 $0x1, s11;
	[sflag:s15] =	ssyncadd.s32 @!p1 $0xFFFFE000;
	s10 =	smov.u32 s16  }
.LBB1_1:
0x1e: {  	p1 =	sge.u32 s11, s5  }
0x1f: {  	s14 =	sand.u32 @!p1 $0x1FFFFFF, s9  }
0x20: {  	s15 =	smulhi.u32 @!p1 $0x147AE15, s14;
	_ =	sdelay $0x1  }
0x21: {  	s15 =	smul.u32 @!p1 $0xC8, s15  }
0x22: {  	s16 =	sxor.u32 @!p1 $0xFFFFFFFF, s11;
	s17 =	smul.u32 @!p1 $0xC80, s10  }
0x23: {  	s31 =	sadd.s32 $0xFFFFFFFF, s11;
	s16 =	sshll.u32 @!p1 s16, $0xD;
	s14 =	ssub.s32 @!p1 s14, s15  }
0x24: {  	s15 =	sand.u32 @!p1 $0x2000, s16;
	s16 =	sadd.s32 @!p1 s6, s17;
	s14 =	sshll.u32 @!p1 s14, $0x4  }
0x25: {  	s17 =	simm.s32 @!p1 $0x6400;
	s14 =	sadd.s32 @!p1 s14, s16;
	s16 =	simm.s32 @!p1 $0x40  }
0x26: {  	[tilespmem:s15], [sflag:$0x1] =	stream.strided.gather @!p1 [hbm4b:s14+s16], $0x2000, s17, s16, $0x38;
	[tilespmem:$0x8080] =	vst v63  }
0x27: {  	p1 =	sge.u32 s31, s5  }
.Ltmp2:
0x28: {  	_ = 	snop;
	(pc) =	sbr.rel @p1 .LBB1_5-.Ltmp2, $1  }
0x29: {  	_ =	sdelay $0x3  }
0x2a: {  	s14 =	simm.s32 $0x1  }
0x2b: {  	_ =	swait.ge [sflag:s4], $0x2000;
	s14 =	simm.s32 @!p0 $0x0  }
0x2c: {  	[sflag:s4] =	ssyncset.done $0x0;
	s15 =	sshll.u32 s14, $0xD  }
0x2d: {  	[sflag:s4] =	ssyncadd.s32 $0xFFFFE000;
	s18 =	sor.u32 $0x20, s15  }
0x2e: {  	s14 =	smul.u32 $0x8100, s14;
	v3 =	vld [tilespmem:s18+$0x10]  }
0x2f: {  	s30 =	sand.u32 $0x1, s11;
	v2 =	vld [tilespmem:s18+$0xFFFFFFF0]  }
0x30: {  	s15 =	smul.u32 $0x8100, s30;
	s14 =	sshrl.u32 s14, $0x2;
	v0 =	vld [tilespmem:s18+$0x0]  }
0x31: {  	v1 =	vld [tilespmem:s18+$0xFFFFFFE0];
	s16 =	sor.u32 $0x4000, s14  }
0x32: {  	s31 =	sshrl.u32 s15, $0x2;
	s15 =	sadd.s32 $0x0, s16  }
0x33: {  	s17 =	simm.s32 $0x4;
	s18 =	sadd.s32 $0x40, s18;
	s14 =	sor.u32 $0x4000, s31;
	[tilespmem:s15+$0x1830 ss:$0x81] =	vst.msk $0xffff, v3  }
.LBB1_3:
0x34: {  	v3 =	vld [tilespmem:s18+$0x10];
	p1 =	sne.s32 s17, $0x1FC;
	[tilespmem:s15+$0x810 ss:$0x81] =	vst.msk $0xffff, v2;
	s19 =	smov.u32 s17;
	s17 =	sadd.s32 $0x4, s17  }
.Ltmp3:
0x35: {  	v2 =	vld [tilespmem:s18+$0xFFFFFFF0];
	[tilespmem:s15+$0x1020 ss:$0x81] =	vst.msk $0xffff, v0;
	(pc) =	sbr.rel @p1 .LBB1_3-.Ltmp3, $4  }
0x36: {  	v0 =	vld [tilespmem:s18+$0x0];
	[tilespmem:s15+$0x0 ss:$0x81] =	vst.msk $0xffff, v1  }
0x37: {  	s15 =	sshra.s32 s19, $0x2;
	v1 =	vld [tilespmem:s18+$0xFFFFFFE0]  }
0x38: {  	s15 =	sadd.s32 s15, s16  }
0x39: {  	s18 =	sadd.s32 $0x40, s18;
	[tilespmem:s15+$0x1830 ss:$0x81] =	vst.msk $0xffff, v3  }
.Ltmp4:
0x3a: {  	_ = 	snop;
	(pc) =	sbr.rel .LBB1_4-.Ltmp4, $1  }
0x3b: {  	_ =	sdelay $0x3  }
.LBB1_6:
0x3c: {  	_ =	sfence.sel $0x180000  }
0x3d: {  	s2 =	simm.s32 $0x1;
	[bflag:$0x0] =	sbarrier.arrive $0xFFFF  }
0x3e: {  	s31 =	simm.s32 $0x2;
	[sflag:s2] =	ssyncpa.u1 $0x1  }
0x3f: {  	[sflag:s31] =	ssyncpa.u1 $0x1  }
0x40: {  	p0 =	sne.s32 s0, $0x0;
	_ =	strace $0x9000004A  }
0x41: {  	s0 =	sadd.s32 @!p0 $0x100000, s1;
	[bflag:$0x2] =	sbarrier.arrive $0xFFFF  }
0x42: {  	[sflag:s0] =	ssyncadd.tile.s32 @!p0 $0x1;
	_ =	shalt  }
.Lfunc_end1:
_tile_overlayer_lowered:
.L_overlay_start_2:
0x43: {  	(tag) =	ssettag $0x2  }
0x44: {  	s0 =	rddreg [dreg:$0x0];
	s2 =	stileid.u32  }
0x45: {  	s1 =	rddreg [dreg:$0x1];
	p0 =	sne.s32 s2, $0x0  }
0x46: {  	s3 =	rddreg [dreg:$0x2];
	[bflag:$0x3] =	sbarrier.arrive $0xFFFF;
	s2 =	simm.s32 @!p0 $0x1C01  }
0x47: {  	[timem:s3], [sflag:s2] =	dma.local @!p0 [hbm:s0], s1  }
0x48: {  	s0 =	simm.s32 @!p0 $0x1  }
0x49: {  	_ =	swait.ge @!p0 [sflag:s0], s1  }
0x4a: {  	s1 =	ssub.s32 @!p0 $0x0, s1;
	[sflag:s0] =	ssyncset.done @!p0 $0x0  }
0x4b: {  	[sflag:s0] =	ssyncadd.s32 @!p0 s1  }
0x4c: {  	[bflag:$0x3] =	sbarrier.arrive $0xFFFF  }
0x4d: {  	_ =	shalt  }

</sc_bundles>
